<compile_context>
chip_gen: v7x
topology: tpu7x:2x2x1
jax: 0.10.2.dev20260603
libtpu: 0.0.44.dev20260713+nightly
codegen_flags: <defaults>
</compile_context>

<pallas_src>
import functools

import jax
import jax.numpy as jnp
from jax import lax
from jax.experimental import pallas as pl
from jax.experimental.pallas import tpu as pltpu
from jax.experimental.pallas import tpu_sc as plsc

NC, NS = 2, 16
NW = NC * NS
CW = 128


NB = 5
PF = 3


def _gather_ring5_body(seq, bsz, cb_per_w, s_off, table_hbm, idxt_hbm, out_hbm,
                       idx_vm, *bufs):
    rows, sg, ss = bufs[:NB], bufs[NB:2 * NB], bufs[2 * NB:3 * NB]
    wid = lax.axis_index("s") * NC + lax.axis_index("c")
    for c in range(cb_per_w):
        pltpu.sync_copy(idxt_hbm.at[:, pl.ds((wid + c * NW) * CW, CW)],
                        idx_vm.at[c])
    n_chunks = seq * cb_per_w

    def sc(j):
        return s_off + j // cb_per_w, j % cb_per_w

    def start_gather(j, b):
        s, c = sc(j)
        pltpu.async_copy(table_hbm.at[idx_vm.at[c, s]], rows[b], sg[b])

    def wait_gather(j, b):
        s, c = sc(j)
        pltpu.make_async_copy(table_hbm.at[idx_vm.at[c, s]], rows[b],
                              sg[b]).wait()

    def dst(j):
        s, c = sc(j)
        return out_hbm.at[pl.ds((s - s_off) * bsz + ((j % cb_per_w) * NW +
                                                     wid) * CW, CW)]

    def start_store(j, b):
        pltpu.async_copy(rows[b], dst(j), ss[b])

    def wait_store(j, b):
        pltpu.make_async_copy(rows[b], dst(j), ss[b]).wait()

    def step(j, b):
        wait_gather(j, b)
        start_store(j, b)

    for j in range(PF):
        start_gather(j, j % NB)
    for j in range(NB):
        step(j, j % NB)
        if j >= 2:
            wait_store(j - 2, (j - 2) % NB)
        start_gather(j + PF, (j + PF) % NB)

    def group(g, carry):
        for b in range(NB):
            j = NB * g + b
            step(j, b)
            wait_store(j - 2, (b - 2) % NB)
            start_gather(j + PF, (b + PF) % NB)
        return carry

    lax.fori_loop(1, n_chunks // NB - 1, group, 0)

    for jj in range(NB):
        j = n_chunks - NB + jj
        step(j, j % NB)
        wait_store(j - 2, (j - 2) % NB)
        if j + PF < n_chunks:
            start_gather(j + PF, (j + PF) % NB)
    for j in range(n_chunks - 2, n_chunks):
        wait_store(j, j % NB)


def _gather_cols_body(seq, bsz, cb_per_w, s_off, table_hbm, idxt_hbm, out_hbm,
                      idx_vm, rows0, rows1, sg0, sg1, ss0, ss1):
    wid = lax.axis_index("s") * NC + lax.axis_index("c")
    for c in range(cb_per_w):
        pltpu.sync_copy(idxt_hbm.at[:, pl.ds((wid + c * NW) * CW, CW)],
                        idx_vm.at[c])

    rows = (rows0, rows1)
    sg = (sg0, sg1)
    ss = (ss0, ss1)
    n_chunks = seq * cb_per_w

    def off(j):
        s, c = j // cb_per_w, j % cb_per_w
        return s * bsz + (wid + c * NW) * CW

    def start_gather(j, b):
        s, c = j // cb_per_w, j % cb_per_w
        pltpu.async_copy(table_hbm.at[idx_vm.at[c, s_off + s]], rows[b], sg[b])

    def wait_gather(j, b):
        s, c = j // cb_per_w, j % cb_per_w
        pltpu.make_async_copy(table_hbm.at[idx_vm.at[c, s_off + s]], rows[b],
                              sg[b]).wait()

    def start_store(j, b):
        pltpu.async_copy(rows[b], out_hbm.at[pl.ds(off(j), CW)], ss[b])

    def wait_store(j, b):
        pltpu.make_async_copy(rows[b], out_hbm.at[pl.ds(off(j), CW)],
                              ss[b]).wait()

    start_gather(0, 0)
    start_gather(1, 1)

    def pair(g, carry):
        for b in range(2):
            j = 2 * g + b
            wait_gather(j, b)
            start_store(j, b)
            wait_store(j, b)
            start_gather(j + 2, b)
        return carry

    lax.fori_loop(0, n_chunks // 2 - 1, pair, 0)
    for b in range(2):
        j = n_chunks - 2 + b
        wait_gather(j, b)
        start_store(j, b)
        wait_store(j, b)


def _sc_gather_cols(table, idxt, s_off, s_len):
    seq_full, bsz = idxt.shape
    d = table.shape[1]
    cb_per_w = bsz // (CW * NW)
    n_chunks = s_len * cb_per_w
    mesh = plsc.VectorSubcoreMesh(core_axis_name="c", subcore_axis_name="s",
                                  num_cores=NC, num_subcores=NS)
    if n_chunks % NB == 0 and n_chunks >= 2 * NB:
        body = functools.partial(_gather_ring5_body, s_len, bsz, cb_per_w,
                                 s_off)
        scratch = ([pltpu.VMEM((cb_per_w, seq_full, CW), jnp.int32)]
                   + [pltpu.VMEM((CW, d), jnp.float32)] * NB
                   + [pltpu.SemaphoreType.DMA] * (2 * NB))
    else:
        body = functools.partial(_gather_cols_body, s_len, bsz, cb_per_w,
                                 s_off)
        scratch = ([pltpu.VMEM((cb_per_w, seq_full, CW), jnp.int32)]
                   + [pltpu.VMEM((CW, d), jnp.float32)] * 2
                   + [pltpu.SemaphoreType.DMA] * 4)
    return pl.kernel(
        body,
        out_type=jax.ShapeDtypeStruct((s_len * bsz, d), jnp.float32),
        mesh=mesh,
        scratch_types=scratch,
        compiler_params=pltpu.CompilerParams(use_tc_tiling_on_sc=True),
    )(table, idxt)


def _gather_flat_body(n_chunks, table_hbm, idx_hbm, out_hbm,
                      idx_v, rows_v, sem):
    wid = lax.axis_index("s") * NC + lax.axis_index("c")
    base = wid * n_chunks * 128
    pltpu.sync_copy(idx_hbm.at[wid], idx_v)

    def chunk(j, carry):
        pltpu.async_copy(table_hbm.at[idx_v.at[j]], rows_v, sem).wait()
        pltpu.sync_copy(rows_v, out_hbm.at[pl.ds(base + j * 128, 128)])
        return carry

    lax.fori_loop(0, n_chunks, chunk, 0)


def _sc_gather_flat(table, idx):
    n = idx.shape[0]
    d = table.shape[1]
    tile = NW * 128
    n_pad = (n + tile - 1) // tile * tile
    if n_pad != n:
        idx = jnp.pad(idx, (0, n_pad - n))
    n_chunks = n_pad // tile
    mesh = plsc.VectorSubcoreMesh(core_axis_name="c", subcore_axis_name="s",
                                  num_cores=NC, num_subcores=NS)
    body = functools.partial(_gather_flat_body, n_chunks)
    out = pl.kernel(
        body,
        out_type=jax.ShapeDtypeStruct((n_pad, d), jnp.float32),
        mesh=mesh,
        scratch_types=[
            pltpu.VMEM((n_chunks, 128), jnp.int32),
            pltpu.VMEM((128, d), jnp.float32),
            pltpu.SemaphoreType.DMA,
        ],
    )(table, idx.reshape(NW, n_chunks, 128))
    return out[:n] if n_pad != n else out


def _mm_body(x_ref, w_ref, b_ref, o_ref):
    x = x_ref[...]
    y = jnp.dot(x, w_ref[...], preferred_element_type=jnp.float32) + b_ref[...]
    c = 0.7978845608028654
    o_ref[...] = 0.5 * y * (1.0 + jnp.tanh(c * (y + 0.044715 * (y * y * y))))


def _mm_body_alias(x_ref, w_ref, b_ref, y_ref, o_ref):
    del y_ref
    _mm_body(x_ref, w_ref, b_ref, o_ref)


def _pick_blk(n):
    blk = 10240 if n % 10240 == 0 else 8192
    while n % blk:
        blk //= 2
    return blk


def _tc_transform_into(x, wt, b2, y_prev, n_total, row_off):
    n, d_in = x.shape
    d_out = wt.shape[1]
    blk = _pick_blk(n)
    if row_off % blk:
        raise ValueError("row_off must be block aligned")
    off_blks = row_off // blk
    in_specs = [
        pl.BlockSpec((blk, d_in), lambda i: (i, 0)),
        pl.BlockSpec((d_in, d_out), lambda i: (0, 0)),
        pl.BlockSpec((1, d_out), lambda i: (0, 0)),
    ]
    args = [x, wt, b2]
    body = _mm_body
    aliases = {}
    if y_prev is not None:
        in_specs.append(pl.BlockSpec(memory_space=pl.ANY))
        args.append(y_prev)
        body = _mm_body_alias
        aliases = {3: 0}
    return pl.pallas_call(
        body,
        grid=(n // blk,),
        in_specs=in_specs,
        out_specs=pl.BlockSpec((blk, d_out), lambda i: (i + off_blks, 0)),
        out_shape=jax.ShapeDtypeStruct((n_total, d_out), jnp.float32),
        input_output_aliases=aliases,
    )(*args)


def _tc_transform(x, wt, b2):
    n, d_in = x.shape
    d_out = wt.shape[1]
    blk = _pick_blk(n)
    return pl.pallas_call(
        _mm_body,
        grid=(n // blk,),
        in_specs=[
            pl.BlockSpec((blk, d_in), lambda i: (i, 0)),
            pl.BlockSpec((d_in, d_out), lambda i: (0, 0)),
            pl.BlockSpec((1, d_out), lambda i: (0, 0)),
        ],
        out_specs=pl.BlockSpec((blk, d_out), lambda i: (i, 0)),
        out_shape=jax.ShapeDtypeStruct((n, d_out), jnp.float32),
    )(x, wt, b2)


def kernel(index, emb_table, W, b):
    bsz, seq = index.shape
    n = bsz * seq
    idxt = index.T.astype(jnp.int32)
    wt, b2 = W.T, b.reshape(1, -1)
    cb_per_w = bsz // (CW * NW) if bsz % (CW * NW) == 0 else 0
    def _chunks_ok(nc):
        return (nc % NB == 0 and nc >= 2 * NB) or (nc % 2 == 0 and nc >= 2)

    if cb_per_w and _chunks_ok(seq * cb_per_w):
        x = _sc_gather_cols(emb_table, idxt, 0, seq)
        y = _tc_transform(x, wt, b2)
    else:
        x = _sc_gather_flat(emb_table, idxt.reshape(n))
        y = _tc_transform(x, wt, b2)
    return y.reshape(seq, bsz, W.shape[0]).transpose(1, 0, 2)

# --- scband reference (transcript-rebuilt; emitter-appended) ---
"""Pipeline reference for scband-customized-embedding-69904887710437 (READ-ONLY COPY).

The authoritative reference and input builder live on the scoring server;
editing this copy changes nothing except your own understanding.
"""

import jax, jax.numpy as jnp
import numpy as np

CONCEPT_NUM = 100000
IN_DIM = 128
OUT_DIM = 256
SCALE = 1.0
INIT_RANGE = 0.02


def gelu_new(x):
    return 0.5 * x * (1.0 + jnp.tanh(jnp.sqrt(2.0 / jnp.pi) * (x + 0.044715 * jnp.power(x, 3.0))))


def setup_inputs(seed: int = 0) -> dict:
    key = jax.random.key(seed)
    k1, k2, k3, k4 = jax.random.split(key, 4)
    index = jax.random.randint(k1, (4096, 50), 0, CONCEPT_NUM)
    # embedding table sized concept_num + 2, init normal(0, initializer_range)
    emb_table = jax.random.normal(k2, (CONCEPT_NUM + 2, IN_DIM), dtype=jnp.float32) * INIT_RANGE
    # linear transform params (torch Linear: out = x @ W.T + b)
    bound = 1.0 / np.sqrt(IN_DIM)
    W = jax.random.uniform(k3, (OUT_DIM, IN_DIM), dtype=jnp.float32, minval=-bound, maxval=bound)
    b = jax.random.uniform(k4, (OUT_DIM,), dtype=jnp.float32, minval=-bound, maxval=bound)
    return {"index": index, "emb_table": emb_table, "W": W, "b": b}


def reference(index, emb_table, W, b):
    # emb(index) * scale  -> cpt_transform -> gelu_new
    x = jnp.take(emb_table, index, axis=0) * SCALE
    y = jnp.dot(x, W.T) + b
    return gelu_new(y)

if __name__ == "__main__":
    import jax
    _d = setup_inputs()
    print(jax.jit(kernel)(*tuple(_d.values())))

</pallas_src>

<mosaic_0001>
#map = affine_map<(d0, d1) -> (0, 0)>
module attributes {stable_mosaic.version = 14 : i64} {
  func.func @_gather_ring5_body(%arg0: i32, %arg1: i32, %arg2: memref<100002x128xf32, #tpu.memory_space<hbm>>, %arg3: memref<50x4096xi32, #tpu.memory_space<hbm>>, %arg4: memref<204800x128xf32, #tpu.memory_space<hbm>>, %arg5: memref<1x50x128xi32, #tpu.memory_space<vmem>>, %arg6: memref<128x128xf32, #tpu.memory_space<vmem>>, %arg7: memref<128x128xf32, #tpu.memory_space<vmem>>, %arg8: memref<128x128xf32, #tpu.memory_space<vmem>>, %arg9: memref<128x128xf32, #tpu.memory_space<vmem>>, %arg10: memref<128x128xf32, #tpu.memory_space<vmem>>, %arg11: memref<!tpu.dma_semaphore, #tpu.memory_space<semaphore_mem>>, %arg12: memref<!tpu.dma_semaphore, #tpu.memory_space<semaphore_mem>>, %arg13: memref<!tpu.dma_semaphore, #tpu.memory_space<semaphore_mem>>, %arg14: memref<!tpu.dma_semaphore, #tpu.memory_space<semaphore_mem>>, %arg15: memref<!tpu.dma_semaphore, #tpu.memory_space<semaphore_mem>>, %arg16: memref<!tpu.dma_semaphore, #tpu.memory_space<semaphore_mem>>, %arg17: memref<!tpu.dma_semaphore, #tpu.memory_space<semaphore_mem>>, %arg18: memref<!tpu.dma_semaphore, #tpu.memory_space<semaphore_mem>>, %arg19: memref<!tpu.dma_semaphore, #tpu.memory_space<semaphore_mem>>, %arg20: memref<!tpu.dma_semaphore, #tpu.memory_space<semaphore_mem>>) attributes {dimension_semantics = [#tpu.dimension_semantics<core_parallel>, #tpu.dimension_semantics<subcore_parallel>], iteration_bounds = array<i64: 2, 16>, scalar_prefetch = 0 : i64, scratch_operands = 16 : i64, tpu.core_type = #tpu.core_type<sc_vector_subcore>, window_params = [{transform_indices = #map}, {transform_indices = #map}, {transform_indices = #map}]} {
    %mul3A = arith.constant 2 : i32
    %mul3A_0 = arith.muli %arg1, %mul3A : i32
    %add3A = arith.addi %mul3A_0, %arg0 : i32
    %add3A_1 = arith.constant 0 : i32
    %add3A_2 = arith.addi %add3A, %add3A_1 : i32
    %mul3A_3 = arith.constant 128 : i32
    %mul3A_4 = arith.muli %add3A_2, %mul3A_3 : i32
    %run_scoped3A = arith.constant 0 : i32
    "tpu.region"() ({
      %run_scoped3A_368 = tpu.sem_alloc : memref<!tpu.dma_semaphore, #tpu.memory_space<semaphore_mem>>
      %dma_start3A_369 = arith.constant 0 : i32
      %dma_start3A_370 = arith.constant 0 : i32
      %dma_start3A_371 = tpu.memref_slice %arg5[%run_scoped3A, %dma_start3A_369, %dma_start3A_370] : memref<1x50x128xi32, #tpu.memory_space<vmem>> -> memref<1x50x128xi32, #tpu.memory_space<vmem>>
      %dma_start3A_372 = tpu.memref_squeeze %dma_start3A_371 : memref<1x50x128xi32, #tpu.memory_space<vmem>> -> memref<50x128xi32, #tpu.memory_space<vmem>>
      %dma_start3A_373 = arith.constant 0 : i32
      %dma_start3A_374 = tpu.memref_slice %arg3[%dma_start3A_373, %mul3A_4] : memref<50x4096xi32, #tpu.memory_space<hbm>> -> memref<50x128xi32, #tpu.memory_space<hbm>>
      %dma_start3A_375 = arith.constant 0 : i32
      %dma_start3A_376 = arith.constant 0 : i32
      %dma_start3A_377 = tpu.memref_slice %arg5[%run_scoped3A, %dma_start3A_375, %dma_start3A_376] : memref<1x50x128xi32, #tpu.memory_space<vmem>> -> memref<1x50x128xi32, #tpu.memory_space<vmem>>
      %dma_start3A_378 = tpu.memref_squeeze %dma_start3A_377 : memref<1x50x128xi32, #tpu.memory_space<vmem>> -> memref<50x128xi32, #tpu.memory_space<vmem>>
      %dma_start3A_379 = arith.constant 0 : i32
      %dma_start3A_380 = tpu.memref_slice %arg3[%dma_start3A_379, %mul3A_4] : memref<50x4096xi32, #tpu.memory_space<hbm>> -> memref<50x128xi32, #tpu.memory_space<hbm>>
      tpu.enqueue_dma source(%dma_start3A_380 : memref<50x128xi32, #tpu.memory_space<hbm>>) target(%dma_start3A_378 : memref<50x128xi32, #tpu.memory_space<vmem>>) target_semaphore(%run_scoped3A_368 : memref<!tpu.dma_semaphore, #tpu.memory_space<semaphore_mem>>)
      %dma_wait3A_381 = arith.constant 0 : i32
      %dma_wait3A_382 = arith.constant 0 : i32
      %dma_wait3A_383 = tpu.memref_slice %arg5[%run_scoped3A, %dma_wait3A_381, %dma_wait3A_382] : memref<1x50x128xi32, #tpu.memory_space<vmem>> -> memref<1x50x128xi32, #tpu.memory_space<vmem>>
      %dma_wait3A_384 = tpu.memref_squeeze %dma_wait3A_383 : memref<1x50x128xi32, #tpu.memory_space<vmem>> -> memref<50x128xi32, #tpu.memory_space<vmem>>
      %dma_wait3A_385 = arith.constant 0 : i32
      %dma_wait3A_386 = tpu.memref_slice %arg3[%dma_wait3A_385, %mul3A_4] : memref<50x4096xi32, #tpu.memory_space<hbm>> -> memref<50x128xi32, #tpu.memory_space<hbm>>
      %dma_wait3A_387 = arith.constant 0 : i32
      %dma_wait3A_388 = arith.constant 0 : i32
      %dma_wait3A_389 = tpu.memref_slice %arg5[%run_scoped3A, %dma_wait3A_387, %dma_wait3A_388] : memref<1x50x128xi32, #tpu.memory_space<vmem>> -> memref<1x50x128xi32, #tpu.memory_space<vmem>>
      %dma_wait3A_390 = tpu.memref_squeeze %dma_wait3A_389 : memref<1x50x128xi32, #tpu.memory_space<vmem>> -> memref<50x128xi32, #tpu.memory_space<vmem>>
      %dma_wait3A_391 = arith.constant 0 : i32
      %dma_wait3A_392 = tpu.memref_slice %arg3[%dma_wait3A_391, %mul3A_4] : memref<50x4096xi32, #tpu.memory_space<hbm>> -> memref<50x128xi32, #tpu.memory_space<hbm>>
      tpu.wait_dma2 semaphore(%run_scoped3A_368 : memref<!tpu.dma_semaphore, #tpu.memory_space<semaphore_mem>>) src(%dma_wait3A_392 : memref<50x128xi32, #tpu.memory_space<hbm>>) dst(%dma_wait3A_390 : memref<50x128xi32, #tpu.memory_space<vmem>>)
      tpu.yield
    }) : () -> ()
    %dma_start3A = arith.constant 0 : i32
    %dma_start3A_5 = arith.constant 0 : i32
    %dma_start3A_6 = arith.constant 0 : i32
    %dma_start3A_7 = tpu.memref_slice %arg5[%dma_start3A, %dma_start3A_5, %dma_start3A_6] : memref<1x50x128xi32, #tpu.memory_space<vmem>> -> memref<1x1x128xi32, #tpu.memory_space<vmem>>
    %dma_start3A_8 = tpu.memref_squeeze %dma_start3A_7 : memref<1x1x128xi32, #tpu.memory_space<vmem>> -> memref<128xi32, #tpu.memory_space<vmem>>
    %dma_start3A_9 = arith.constant 0 : i32
    %dma_start3A_10 = arith.constant 0 : i32
    %dma_start3A_11 = tpu.memref_slice %arg2[%dma_start3A_9, %dma_start3A_10] : memref<100002x128xf32, #tpu.memory_space<hbm>> -> memref<100002x128xf32, #tpu.memory_space<hbm>>
    tpu.enqueue_indirect_dma source(%dma_start3A_11 : memref<100002x128xf32, #tpu.memory_space<hbm>>) target(%arg6 : memref<128x128xf32, #tpu.memory_space<vmem>>) offsets(%dma_start3A_8 : memref<128xi32, #tpu.memory_space<vmem>>) semaphore(%arg11 : memref<!tpu.dma_semaphore, #tpu.memory_space<semaphore_mem>>)
    %dma_start3A_12 = arith.constant 0 : i32
    %dma_start3A_13 = arith.constant 1 : i32
    %dma_start3A_14 = arith.constant 0 : i32
    %dma_start3A_15 = tpu.memref_slice %arg5[%dma_start3A_12, %dma_start3A_13, %dma_start3A_14] : memref<1x50x128xi32, #tpu.memory_space<vmem>> -> memref<1x1x128xi32, #tpu.memory_space<vmem>>
    %dma_start3A_16 = tpu.memref_squeeze %dma_start3A_15 : memref<1x1x128xi32, #tpu.memory_space<vmem>> -> memref<128xi32, #tpu.memory_space<vmem>>
    %dma_start3A_17 = arith.constant 0 : i32
    %dma_start3A_18 = arith.constant 0 : i32
    %dma_start3A_19 = tpu.memref_slice %arg2[%dma_start3A_17, %dma_start3A_18] : memref<100002x128xf32, #tpu.memory_space<hbm>> -> memref<100002x128xf32, #tpu.memory_space<hbm>>
    tpu.enqueue_indirect_dma source(%dma_start3A_19 : memref<100002x128xf32, #tpu.memory_space<hbm>>) target(%arg7 : memref<128x128xf32, #tpu.memory_space<vmem>>) offsets(%dma_start3A_16 : memref<128xi32, #tpu.memory_space<vmem>>) semaphore(%arg12 : memref<!tpu.dma_semaphore, #tpu.memory_space<semaphore_mem>>)
    %dma_start3A_20 = arith.constant 0 : i32
    %dma_start3A_21 = arith.constant 2 : i32
    %dma_start3A_22 = arith.constant 0 : i32
    %dma_start3A_23 = tpu.memref_slice %arg5[%dma_start3A_20, %dma_start3A_21, %dma_start3A_22] : memref<1x50x128xi32, #tpu.memory_space<vmem>> -> memref<1x1x128xi32, #tpu.memory_space<vmem>>
    %dma_start3A_24 = tpu.memref_squeeze %dma_start3A_23 : memref<1x1x128xi32, #tpu.memory_space<vmem>> -> memref<128xi32, #tpu.memory_space<vmem>>
    %dma_start3A_25 = arith.constant 0 : i32
    %dma_start3A_26 = arith.constant 0 : i32
    %dma_start3A_27 = tpu.memref_slice %arg2[%dma_start3A_25, %dma_start3A_26] : memref<100002x128xf32, #tpu.memory_space<hbm>> -> memref<100002x128xf32, #tpu.memory_space<hbm>>
    tpu.enqueue_indirect_dma source(%dma_start3A_27 : memref<100002x128xf32, #tpu.memory_space<hbm>>) target(%arg8 : memref<128x128xf32, #tpu.memory_space<vmem>>) offsets(%dma_start3A_24 : memref<128xi32, #tpu.memory_space<vmem>>) semaphore(%arg13 : memref<!tpu.dma_semaphore, #tpu.memory_space<semaphore_mem>>)
    %dma_wait3A = arith.constant 0 : i32
    %dma_wait3A_28 = arith.constant 0 : i32
    %dma_wait3A_29 = arith.constant 0 : i32
    %dma_wait3A_30 = tpu.memref_slice %arg5[%dma_wait3A, %dma_wait3A_28, %dma_wait3A_29] : memref<1x50x128xi32, #tpu.memory_space<vmem>> -> memref<1x1x128xi32, #tpu.memory_space<vmem>>
    %dma_wait3A_31 = tpu.memref_squeeze %dma_wait3A_30 : memref<1x1x128xi32, #tpu.memory_space<vmem>> -> memref<128xi32, #tpu.memory_space<vmem>>
    %dma_wait3A_32 = arith.constant 0 : i32
    %dma_wait3A_33 = arith.constant 0 : i32
    %dma_wait3A_34 = tpu.memref_slice %arg2[%dma_wait3A_32, %dma_wait3A_33] : memref<100002x128xf32, #tpu.memory_space<hbm>> -> memref<100002x128xf32, #tpu.memory_space<hbm>>
    tpu.wait_indirect_dma semaphore(%arg11 : memref<!tpu.dma_semaphore, #tpu.memory_space<semaphore_mem>>) src(%dma_wait3A_34 : memref<100002x128xf32, #tpu.memory_space<hbm>>) dst(%arg6 : memref<128x128xf32, #tpu.memory_space<vmem>>)
    %add3A_35 = arith.constant 0 : i32
    %add3A_36 = arith.addi %add3A_35, %add3A : i32
    %mul3A_37 = arith.constant 128 : i32
    %mul3A_38 = arith.muli %add3A_36, %mul3A_37 : i32
    %add3A_39 = arith.constant 0 : i32
    %add3A_40 = arith.addi %add3A_39, %mul3A_38 : i32
    %dma_start3A_41 = arith.constant 0 : i32
    %dma_start3A_42 = tpu.memref_slice %arg4[%add3A_40, %dma_start3A_41] : memref<204800x128xf32, #tpu.memory_space<hbm>> -> memref<128x128xf32, #tpu.memory_space<hbm>>
    %dma_start3A_43 = arith.constant 0 : i32
    %dma_start3A_44 = tpu.memref_slice %arg4[%add3A_40, %dma_start3A_43] : memref<204800x128xf32, #tpu.memory_space<hbm>> -> memref<128x128xf32, #tpu.memory_space<hbm>>
    tpu.enqueue_dma source(%arg6 : memref<128x128xf32, #tpu.memory_space<vmem>>) target(%dma_start3A_44 : memref<128x128xf32, #tpu.memory_space<hbm>>) target_semaphore(%arg16 : memref<!tpu.dma_semaphore, #tpu.memory_space<semaphore_mem>>)
    %dma_start3A_45 = arith.constant 0 : i32
    %dma_start3A_46 = arith.constant 3 : i32
    %dma_start3A_47 = arith.constant 0 : i32
    %dma_start3A_48 = tpu.memref_slice %arg5[%dma_start3A_45, %dma_start3A_46, %dma_start3A_47] : memref<1x50x128xi32, #tpu.memory_space<vmem>> -> memref<1x1x128xi32, #tpu.memory_space<vmem>>
    %dma_start3A_49 = tpu.memref_squeeze %dma_start3A_48 : memref<1x1x128xi32, #tpu.memory_space<vmem>> -> memref<128xi32, #tpu.memory_space<vmem>>
    %dma_start3A_50 = arith.constant 0 : i32
    %dma_start3A_51 = arith.constant 0 : i32
    %dma_start3A_52 = tpu.memref_slice %arg2[%dma_start3A_50, %dma_start3A_51] : memref<100002x128xf32, #tpu.memory_space<hbm>> -> memref<100002x128xf32, #tpu.memory_space<hbm>>
    tpu.enqueue_indirect_dma source(%dma_start3A_52 : memref<100002x128xf32, #tpu.memory_space<hbm>>) target(%arg9 : memref<128x128xf32, #tpu.memory_space<vmem>>) offsets(%dma_start3A_49 : memref<128xi32, #tpu.memory_space<vmem>>) semaphore(%arg14 : memref<!tpu.dma_semaphore, #tpu.memory_space<semaphore_mem>>)
    %dma_wait3A_53 = arith.constant 0 : i32
    %dma_wait3A_54 = arith.constant 1 : i32
    %dma_wait3A_55 = arith.constant 0 : i32
    %dma_wait3A_56 = tpu.memref_slice %arg5[%dma_wait3A_53, %dma_wait3A_54, %dma_wait3A_55] : memref<1x50x128xi32, #tpu.memory_space<vmem>> -> memref<1x1x128xi32, #tpu.memory_space<vmem>>
    %dma_wait3A_57 = tpu.memref_squeeze %dma_wait3A_56 : memref<1x1x128xi32, #tpu.memory_space<vmem>> -> memref<128xi32, #tpu.memory_space<vmem>>
    %dma_wait3A_58 = arith.constant 0 : i32
    %dma_wait3A_59 = arith.constant 0 : i32
    %dma_wait3A_60 = tpu.memref_slice %arg2[%dma_wait3A_58, %dma_wait3A_59] : memref<100002x128xf32, #tpu.memory_space<hbm>> -> memref<100002x128xf32, #tpu.memory_space<hbm>>
    tpu.wait_indirect_dma semaphore(%arg12 : memref<!tpu.dma_semaphore, #tpu.memory_space<semaphore_mem>>) src(%dma_wait3A_60 : memref<100002x128xf32, #tpu.memory_space<hbm>>) dst(%arg7 : memref<128x128xf32, #tpu.memory_space<vmem>>)
    %add3A_61 = arith.constant 0 : i32
    %add3A_62 = arith.addi %add3A_61, %add3A : i32
    %mul3A_63 = arith.constant 128 : i32
    %mul3A_64 = arith.muli %add3A_62, %mul3A_63 : i32
    %add3A_65 = arith.constant 4096 : i32
    %add3A_66 = arith.addi %add3A_65, %mul3A_64 : i32
    %dma_start3A_67 = arith.constant 0 : i32
    %dma_start3A_68 = tpu.memref_slice %arg4[%add3A_66, %dma_start3A_67] : memref<204800x128xf32, #tpu.memory_space<hbm>> -> memref<128x128xf32, #tpu.memory_space<hbm>>
    %dma_start3A_69 = arith.constant 0 : i32
    %dma_start3A_70 = tpu.memref_slice %arg4[%add3A_66, %dma_start3A_69] : memref<204800x128xf32, #tpu.memory_space<hbm>> -> memref<128x128xf32, #tpu.memory_space<hbm>>
    tpu.enqueue_dma source(%arg7 : memref<128x128xf32, #tpu.memory_space<vmem>>) target(%dma_start3A_70 : memref<128x128xf32, #tpu.memory_space<hbm>>) target_semaphore(%arg17 : memref<!tpu.dma_semaphore, #tpu.memory_space<semaphore_mem>>)
    %dma_start3A_71 = arith.constant 0 : i32
    %dma_start3A_72 = arith.constant 4 : i32
    %dma_start3A_73 = arith.constant 0 : i32
    %dma_start3A_74 = tpu.memref_slice %arg5[%dma_start3A_71, %dma_start3A_72, %dma_start3A_73] : memref<1x50x128xi32, #tpu.memory_space<vmem>> -> memref<1x1x128xi32, #tpu.memory_space<vmem>>
    %dma_start3A_75 = tpu.memref_squeeze %dma_start3A_74 : memref<1x1x128xi32, #tpu.memory_space<vmem>> -> memref<128xi32, #tpu.memory_space<vmem>>
    %dma_start3A_76 = arith.constant 0 : i32
    %dma_start3A_77 = arith.constant 0 : i32
    %dma_start3A_78 = tpu.memref_slice %arg2[%dma_start3A_76, %dma_start3A_77] : memref<100002x128xf32, #tpu.memory_space<hbm>> -> memref<100002x128xf32, #tpu.memory_space<hbm>>
    tpu.enqueue_indirect_dma source(%dma_start3A_78 : memref<100002x128xf32, #tpu.memory_space<hbm>>) target(%arg10 : memref<128x128xf32, #tpu.memory_space<vmem>>) offsets(%dma_start3A_75 : memref<128xi32, #tpu.memory_space<vmem>>) semaphore(%arg15 : memref<!tpu.dma_semaphore, #tpu.memory_space<semaphore_mem>>)
    %dma_wait3A_79 = arith.constant 0 : i32
    %dma_wait3A_80 = arith.constant 2 : i32
    %dma_wait3A_81 = arith.constant 0 : i32
    %dma_wait3A_82 = tpu.memref_slice %arg5[%dma_wait3A_79, %dma_wait3A_80, %dma_wait3A_81] : memref<1x50x128xi32, #tpu.memory_space<vmem>> -> memref<1x1x128xi32, #tpu.memory_space<vmem>>
    %dma_wait3A_83 = tpu.memref_squeeze %dma_wait3A_82 : memref<1x1x128xi32, #tpu.memory_space<vmem>> -> memref<128xi32, #tpu.memory_space<vmem>>
    %dma_wait3A_84 = arith.constant 0 : i32
    %dma_wait3A_85 = arith.constant 0 : i32
    %dma_wait3A_86 = tpu.memref_slice %arg2[%dma_wait3A_84, %dma_wait3A_85] : memref<100002x128xf32, #tpu.memory_space<hbm>> -> memref<100002x128xf32, #tpu.memory_space<hbm>>
    tpu.wait_indirect_dma semaphore(%arg13 : memref<!tpu.dma_semaphore, #tpu.memory_space<semaphore_mem>>) src(%dma_wait3A_86 : memref<100002x128xf32, #tpu.memory_space<hbm>>) dst(%arg8 : memref<128x128xf32, #tpu.memory_space<vmem>>)
    %add3A_87 = arith.constant 0 : i32
    %add3A_88 = arith.addi %add3A_87, %add3A : i32
    %mul3A_89 = arith.constant 128 : i32
    %mul3A_90 = arith.muli %add3A_88, %mul3A_89 : i32
    %add3A_91 = arith.constant 8192 : i32
    %add3A_92 = arith.addi %add3A_91, %mul3A_90 : i32
    %dma_start3A_93 = arith.constant 0 : i32
    %dma_start3A_94 = tpu.memref_slice %arg4[%add3A_92, %dma_start3A_93] : memref<204800x128xf32, #tpu.memory_space<hbm>> -> memref<128x128xf32, #tpu.memory_space<hbm>>
    %dma_start3A_95 = arith.constant 0 : i32
    %dma_start3A_96 = tpu.memref_slice %arg4[%add3A_92, %dma_start3A_95] : memref<204800x128xf32, #tpu.memory_space<hbm>> -> memref<128x128xf32, #tpu.memory_space<hbm>>
    tpu.enqueue_dma source(%arg8 : memref<128x128xf32, #tpu.memory_space<vmem>>) target(%dma_start3A_96 : memref<128x128xf32, #tpu.memory_space<hbm>>) target_semaphore(%arg18 : memref<!tpu.dma_semaphore, #tpu.memory_space<semaphore_mem>>)
    %add3A_97 = arith.constant 0 : i32
    %add3A_98 = arith.addi %add3A_97, %add3A : i32
    %mul3A_99 = arith.constant 128 : i32
    %mul3A_100 = arith.muli %add3A_98, %mul3A_99 : i32
    %add3A_101 = arith.constant 0 : i32
    %add3A_102 = arith.addi %add3A_101, %mul3A_100 : i32
    %dma_wait3A_103 = arith.constant 0 : i32
    %dma_wait3A_104 = tpu.memref_slice %arg4[%add3A_102, %dma_wait3A_103] : memref<204800x128xf32, #tpu.memory_space<hbm>> -> memref<128x128xf32, #tpu.memory_space<hbm>>
    %dma_wait3A_105 = arith.constant 0 : i32
    %dma_wait3A_106 = tpu.memref_slice %arg4[%add3A_102, %dma_wait3A_105] : memref<204800x128xf32, #tpu.memory_space<hbm>> -> memref<128x128xf32, #tpu.memory_space<hbm>>
    tpu.wait_dma2 semaphore(%arg16 : memref<!tpu.dma_semaphore, #tpu.memory_space<semaphore_mem>>) src(%arg6 : memref<128x128xf32, #tpu.memory_space<vmem>>) dst(%dma_wait3A_106 : memref<128x128xf32, #tpu.memory_space<hbm>>)
    %dma_start3A_107 = arith.constant 0 : i32
    %dma_start3A_108 = arith.constant 5 : i32
    %dma_start3A_109 = arith.constant 0 : i32
    %dma_start3A_110 = tpu.memref_slice %arg5[%dma_start3A_107, %dma_start3A_108, %dma_start3A_109] : memref<1x50x128xi32, #tpu.memory_space<vmem>> -> memref<1x1x128xi32, #tpu.memory_space<vmem>>
    %dma_start3A_111 = tpu.memref_squeeze %dma_start3A_110 : memref<1x1x128xi32, #tpu.memory_space<vmem>> -> memref<128xi32, #tpu.memory_space<vmem>>
    %dma_start3A_112 = arith.constant 0 : i32
    %dma_start3A_113 = arith.constant 0 : i32
    %dma_start3A_114 = tpu.memref_slice %arg2[%dma_start3A_112, %dma_start3A_113] : memref<100002x128xf32, #tpu.memory_space<hbm>> -> memref<100002x128xf32, #tpu.memory_space<hbm>>
    tpu.enqueue_indirect_dma source(%dma_start3A_114 : memref<100002x128xf32, #tpu.memory_space<hbm>>) target(%arg6 : memref<128x128xf32, #tpu.memory_space<vmem>>) offsets(%dma_start3A_111 : memref<128xi32, #tpu.memory_space<vmem>>) semaphore(%arg11 : memref<!tpu.dma_semaphore, #tpu.memory_space<semaphore_mem>>)
    %dma_wait3A_115 = arith.constant 0 : i32
    %dma_wait3A_116 = arith.constant 3 : i32
    %dma_wait3A_117 = arith.constant 0 : i32
    %dma_wait3A_118 = tpu.memref_slice %arg5[%dma_wait3A_115, %dma_wait3A_116, %dma_wait3A_117] : memref<1x50x128xi32, #tpu.memory_space<vmem>> -> memref<1x1x128xi32, #tpu.memory_space<vmem>>
    %dma_wait3A_119 = tpu.memref_squeeze %dma_wait3A_118 : memref<1x1x128xi32, #tpu.memory_space<vmem>> -> memref<128xi32, #tpu.memory_space<vmem>>
    %dma_wait3A_120 = arith.constant 0 : i32
    %dma_wait3A_121 = arith.constant 0 : i32
    %dma_wait3A_122 = tpu.memref_slice %arg2[%dma_wait3A_120, %dma_wait3A_121] : memref<100002x128xf32, #tpu.memory_space<hbm>> -> memref<100002x128xf32, #tpu.memory_space<hbm>>
    tpu.wait_indirect_dma semaphore(%arg14 : memref<!tpu.dma_semaphore, #tpu.memory_space<semaphore_mem>>) src(%dma_wait3A_122 : memref<100002x128xf32, #tpu.memory_space<hbm>>) dst(%arg9 : memref<128x128xf32, #tpu.memory_space<vmem>>)
    %add3A_123 = arith.constant 0 : i32
    %add3A_124 = arith.addi %add3A_123, %add3A : i32
    %mul3A_125 = arith.constant 128 : i32
    %mul3A_126 = arith.muli %add3A_124, %mul3A_125 : i32
    %add3A_127 = arith.constant 12288 : i32
    %add3A_128 = arith.addi %add3A_127, %mul3A_126 : i32
    %dma_start3A_129 = arith.constant 0 : i32
    %dma_start3A_130 = tpu.memref_slice %arg4[%add3A_128, %dma_start3A_129] : memref<204800x128xf32, #tpu.memory_space<hbm>> -> memref<128x128xf32, #tpu.memory_space<hbm>>
    %dma_start3A_131 = arith.constant 0 : i32
    %dma_start3A_132 = tpu.memref_slice %arg4[%add3A_128, %dma_start3A_131] : memref<204800x128xf32, #tpu.memory_space<hbm>> -> memref<128x128xf32, #tpu.memory_space<hbm>>
    tpu.enqueue_dma source(%arg9 : memref<128x128xf32, #tpu.memory_space<vmem>>) target(%dma_start3A_132 : memref<128x128xf32, #tpu.memory_space<hbm>>) target_semaphore(%arg19 : memref<!tpu.dma_semaphore, #tpu.memory_space<semaphore_mem>>)
    %add3A_133 = arith.constant 0 : i32
    %add3A_134 = arith.addi %add3A_133, %add3A : i32
    %mul3A_135 = arith.constant 128 : i32
    %mul3A_136 = arith.muli %add3A_134, %mul3A_135 : i32
    %add3A_137 = arith.constant 4096 : i32
    %add3A_138 = arith.addi %add3A_137, %mul3A_136 : i32
    %dma_wait3A_139 = arith.constant 0 : i32
    %dma_wait3A_140 = tpu.memref_slice %arg4[%add3A_138, %dma_wait3A_139] : memref<204800x128xf32, #tpu.memory_space<hbm>> -> memref<128x128xf32, #tpu.memory_space<hbm>>
    %dma_wait3A_141 = arith.constant 0 : i32
    %dma_wait3A_142 = tpu.memref_slice %arg4[%add3A_138, %dma_wait3A_141] : memref<204800x128xf32, #tpu.memory_space<hbm>> -> memref<128x128xf32, #tpu.memory_space<hbm>>
    tpu.wait_dma2 semaphore(%arg17 : memref<!tpu.dma_semaphore, #tpu.memory_space<semaphore_mem>>) src(%arg7 : memref<128x128xf32, #tpu.memory_space<vmem>>) dst(%dma_wait3A_142 : memref<128x128xf32, #tpu.memory_space<hbm>>)
    %dma_start3A_143 = arith.constant 0 : i32
    %dma_start3A_144 = arith.constant 6 : i32
    %dma_start3A_145 = arith.constant 0 : i32
    %dma_start3A_146 = tpu.memref_slice %arg5[%dma_start3A_143, %dma_start3A_144, %dma_start3A_145] : memref<1x50x128xi32, #tpu.memory_space<vmem>> -> memref<1x1x128xi32, #tpu.memory_space<vmem>>
    %dma_start3A_147 = tpu.memref_squeeze %dma_start3A_146 : memref<1x1x128xi32, #tpu.memory_space<vmem>> -> memref<128xi32, #tpu.memory_space<vmem>>
    %dma_start3A_148 = arith.constant 0 : i32
    %dma_start3A_149 = arith.constant 0 : i32
    %dma_start3A_150 = tpu.memref_slice %arg2[%dma_start3A_148, %dma_start3A_149] : memref<100002x128xf32, #tpu.memory_space<hbm>> -> memref<100002x128xf32, #tpu.memory_space<hbm>>
    tpu.enqueue_indirect_dma source(%dma_start3A_150 : memref<100002x128xf32, #tpu.memory_space<hbm>>) target(%arg7 : memref<128x128xf32, #tpu.memory_space<vmem>>) offsets(%dma_start3A_147 : memref<128xi32, #tpu.memory_space<vmem>>) semaphore(%arg12 : memref<!tpu.dma_semaphore, #tpu.memory_space<semaphore_mem>>)
    %dma_wait3A_151 = arith.constant 0 : i32
    %dma_wait3A_152 = arith.constant 4 : i32
    %dma_wait3A_153 = arith.constant 0 : i32
    %dma_wait3A_154 = tpu.memref_slice %arg5[%dma_wait3A_151, %dma_wait3A_152, %dma_wait3A_153] : memref<1x50x128xi32, #tpu.memory_space<vmem>> -> memref<1x1x128xi32, #tpu.memory_space<vmem>>
    %dma_wait3A_155 = tpu.memref_squeeze %dma_wait3A_154 : memref<1x1x128xi32, #tpu.memory_space<vmem>> -> memref<128xi32, #tpu.memory_space<vmem>>
    %dma_wait3A_156 = arith.constant 0 : i32
    %dma_wait3A_157 = arith.constant 0 : i32
    %dma_wait3A_158 = tpu.memref_slice %arg2[%dma_wait3A_156, %dma_wait3A_157] : memref<100002x128xf32, #tpu.memory_space<hbm>> -> memref<100002x128xf32, #tpu.memory_space<hbm>>
    tpu.wait_indirect_dma semaphore(%arg15 : memref<!tpu.dma_semaphore, #tpu.memory_space<semaphore_mem>>) src(%dma_wait3A_158 : memref<100002x128xf32, #tpu.memory_space<hbm>>) dst(%arg10 : memref<128x128xf32, #tpu.memory_space<vmem>>)
    %add3A_159 = arith.constant 0 : i32
    %add3A_160 = arith.addi %add3A_159, %add3A : i32
    %mul3A_161 = arith.constant 128 : i32
    %mul3A_162 = arith.muli %add3A_160, %mul3A_161 : i32
    %add3A_163 = arith.constant 16384 : i32
    %add3A_164 = arith.addi %add3A_163, %mul3A_162 : i32
    %dma_start3A_165 = arith.constant 0 : i32
    %dma_start3A_166 = tpu.memref_slice %arg4[%add3A_164, %dma_start3A_165] : memref<204800x128xf32, #tpu.memory_space<hbm>> -> memref<128x128xf32, #tpu.memory_space<hbm>>
    %dma_start3A_167 = arith.constant 0 : i32
    %dma_start3A_168 = tpu.memref_slice %arg4[%add3A_164, %dma_start3A_167] : memref<204800x128xf32, #tpu.memory_space<hbm>> -> memref<128x128xf32, #tpu.memory_space<hbm>>
    tpu.enqueue_dma source(%arg10 : memref<128x128xf32, #tpu.memory_space<vmem>>) target(%dma_start3A_168 : memref<128x128xf32, #tpu.memory_space<hbm>>) target_semaphore(%arg20 : memref<!tpu.dma_semaphore, #tpu.memory_space<semaphore_mem>>)
    %add3A_169 = arith.constant 0 : i32
    %add3A_170 = arith.addi %add3A_169, %add3A : i32
    %mul3A_171 = arith.constant 128 : i32
    %mul3A_172 = arith.muli %add3A_170, %mul3A_171 : i32
    %add3A_173 = arith.constant 8192 : i32
    %add3A_174 = arith.addi %add3A_173, %mul3A_172 : i32
    %dma_wait3A_175 = arith.constant 0 : i32
    %dma_wait3A_176 = tpu.memref_slice %arg4[%add3A_174, %dma_wait3A_175] : memref<204800x128xf32, #tpu.memory_space<hbm>> -> memref<128x128xf32, #tpu.memory_space<hbm>>
    %dma_wait3A_177 = arith.constant 0 : i32
    %dma_wait3A_178 = tpu.memref_slice %arg4[%add3A_174, %dma_wait3A_177] : memref<204800x128xf32, #tpu.memory_space<hbm>> -> memref<128x128xf32, #tpu.memory_space<hbm>>
    tpu.wait_dma2 semaphore(%arg18 : memref<!tpu.dma_semaphore, #tpu.memory_space<semaphore_mem>>) src(%arg8 : memref<128x128xf32, #tpu.memory_space<vmem>>) dst(%dma_wait3A_178 : memref<128x128xf32, #tpu.memory_space<hbm>>)
    %dma_start3A_179 = arith.constant 0 : i32
    %dma_start3A_180 = arith.constant 7 : i32
    %dma_start3A_181 = arith.constant 0 : i32
    %dma_start3A_182 = tpu.memref_slice %arg5[%dma_start3A_179, %dma_start3A_180, %dma_start3A_181] : memref<1x50x128xi32, #tpu.memory_space<vmem>> -> memref<1x1x128xi32, #tpu.memory_space<vmem>>
    %dma_start3A_183 = tpu.memref_squeeze %dma_start3A_182 : memref<1x1x128xi32, #tpu.memory_space<vmem>> -> memref<128xi32, #tpu.memory_space<vmem>>
    %dma_start3A_184 = arith.constant 0 : i32
    %dma_start3A_185 = arith.constant 0 : i32
    %dma_start3A_186 = tpu.memref_slice %arg2[%dma_start3A_184, %dma_start3A_185] : memref<100002x128xf32, #tpu.memory_space<hbm>> -> memref<100002x128xf32, #tpu.memory_space<hbm>>
    tpu.enqueue_indirect_dma source(%dma_start3A_186 : memref<100002x128xf32, #tpu.memory_space<hbm>>) target(%arg8 : memref<128x128xf32, #tpu.memory_space<vmem>>) offsets(%dma_start3A_183 : memref<128xi32, #tpu.memory_space<vmem>>) semaphore(%arg13 : memref<!tpu.dma_semaphore, #tpu.memory_space<semaphore_mem>>)
    %scan3A = arith.constant 0 : i32
    %scan3A_187 = arith.constant 1 : i32
    %scan3A_188 = arith.constant 8 : i32
    %scan3A_189 = arith.addi %scan3A_187, %scan3A_188 : i32
    %scan3A_190 = arith.constant 1 : i32
    scf.for %scan3A_368 = %scan3A_187 to %scan3A_189 step %scan3A_190  : i32 {
      %mul3A_369 = arith.constant 5 : i32
      %mul3A_370 = arith.muli %mul3A_369, %scan3A_368 : i32
      %add3A_371 = arith.constant 0 : i32
      %add3A_372 = arith.addi %mul3A_370, %add3A_371 : i32
      %jit3A = arith.constant 1 : i32
      %div3A = arith.divsi %add3A_372, %jit3A : i32
      %sign3A = arith.constant 0 : i32
      %sign3A_373 = arith.cmpi sgt, %add3A_372, %sign3A : i32
      %sign3A_374 = arith.extui %sign3A_373 : i1 to i32
      %sign3A_375 = arith.constant 0 : i32
      %sign3A_376 = arith.cmpi slt, %add3A_372, %sign3A_375 : i32
      %sign3A_377 = arith.extui %sign3A_376 : i1 to i32
      %sign3A_378 = arith.subi %sign3A_374, %sign3A_377 : i32
      %sign3A_379 = arith.constant 0 : i32
      %sign3A_380 = arith.cmpi sgt, %jit3A, %sign3A_379 : i32
      %sign3A_381 = arith.extui %sign3A_380 : i1 to i32
      %sign3A_382 = arith.constant 0 : i32
      %sign3A_383 = arith.cmpi slt, %jit3A, %sign3A_382 : i32
      %sign3A_384 = arith.extui %sign3A_383 : i1 to i32
      %sign3A_385 = arith.subi %sign3A_381, %sign3A_384 : i32
      %ne3A = arith.cmpi ne, %sign3A_378, %sign3A_385 : i32
      %rem3A = arith.remsi %add3A_372, %jit3A : i32
      %ne3A_386 = arith.constant 0 : i32
      %ne3A_387 = arith.cmpi ne, %rem3A, %ne3A_386 : i32
      %and3A = arith.andi %ne3A, %ne3A_387 : i1
      %sub3A = arith.constant 1 : i32
      %sub3A_388 = arith.subi %div3A, %sub3A : i32
      %select_n3A = arith.select %and3A, %sub3A_388, %div3A : i32
      %add3A_389 = arith.constant 0 : i32
      %add3A_390 = arith.addi %add3A_389, %select_n3A : i32
      %jit3A_391 = arith.constant 1 : i32
      %eq3A = arith.constant 0 : i32
      %eq3A_392 = arith.cmpi eq, %jit3A_391, %eq3A : i32
      %jit3A_393 = arith.constant 1 : i32
      %select_n3A_394 = arith.select %eq3A_392, %jit3A_393, %jit3A_391 : i32
      %rem3A_395 = arith.remsi %add3A_372, %select_n3A_394 : i32
      %ne3A_396 = arith.constant 0 : i32
      %ne3A_397 = arith.cmpi ne, %rem3A_395, %ne3A_396 : i32
      %lt3A = arith.constant 0 : i32
      %lt3A_398 = arith.cmpi slt, %rem3A_395, %lt3A : i32
      %lt3A_399 = arith.constant 0 : i32
      %lt3A_400 = arith.cmpi slt, %select_n3A_394, %lt3A_399 : i32
      %ne3A_401 = arith.xori %lt3A_398, %lt3A_400 : i1
      %and3A_402 = arith.andi %ne3A_401, %ne3A_397 : i1
      %add3A_403 = arith.addi %rem3A_395, %select_n3A_394 : i32
      %select_n3A_404 = arith.select %and3A_402, %add3A_403, %rem3A_395 : i32
      %dma_wait3A_405 = arith.constant 0 : i32
      %dma_wait3A_406 = tpu.memref_slice %arg5[%select_n3A_404, %add3A_390, %dma_wait3A_405] : memref<1x50x128xi32, #tpu.memory_space<vmem>> -> memref<1x1x128xi32, #tpu.memory_space<vmem>>
      %dma_wait3A_407 = tpu.memref_squeeze %dma_wait3A_406 : memref<1x1x128xi32, #tpu.memory_space<vmem>> -> memref<128xi32, #tpu.memory_space<vmem>>
      %dma_wait3A_408 = arith.constant 0 : i32
      %dma_wait3A_409 = arith.constant 0 : i32
      %dma_wait3A_410 = tpu.memref_slice %arg2[%dma_wait3A_408, %dma_wait3A_409] : memref<100002x128xf32, #tpu.memory_space<hbm>> -> memref<100002x128xf32, #tpu.memory_space<hbm>>
      tpu.wait_indirect_dma semaphore(%arg11 : memref<!tpu.dma_semaphore, #tpu.memory_space<semaphore_mem>>) src(%dma_wait3A_410 : memref<100002x128xf32, #tpu.memory_space<hbm>>) dst(%arg6 : memref<128x128xf32, #tpu.memory_space<vmem>>)
      %jit3A_411 = arith.constant 1 : i32
      %div3A_412 = arith.divsi %add3A_372, %jit3A_411 : i32
      %sign3A_413 = arith.constant 0 : i32
      %sign3A_414 = arith.cmpi sgt, %add3A_372, %sign3A_413 : i32
      %sign3A_415 = arith.extui %sign3A_414 : i1 to i32
      %sign3A_416 = arith.constant 0 : i32
      %sign3A_417 = arith.cmpi slt, %add3A_372, %sign3A_416 : i32
      %sign3A_418 = arith.extui %sign3A_417 : i1 to i32
      %sign3A_419 = arith.subi %sign3A_415, %sign3A_418 : i32
      %sign3A_420 = arith.constant 0 : i32
      %sign3A_421 = arith.cmpi sgt, %jit3A_411, %sign3A_420 : i32
      %sign3A_422 = arith.extui %sign3A_421 : i1 to i32
      %sign3A_423 = arith.constant 0 : i32
      %sign3A_424 = arith.cmpi slt, %jit3A_411, %sign3A_423 : i32
      %sign3A_425 = arith.extui %sign3A_424 : i1 to i32
      %sign3A_426 = arith.subi %sign3A_422, %sign3A_425 : i32
      %ne3A_427 = arith.cmpi ne, %sign3A_419, %sign3A_426 : i32
      %rem3A_428 = arith.remsi %add3A_372, %jit3A_411 : i32
      %ne3A_429 = arith.constant 0 : i32
      %ne3A_430 = arith.cmpi ne, %rem3A_428, %ne3A_429 : i32
      %and3A_431 = arith.andi %ne3A_427, %ne3A_430 : i1
      %sub3A_432 = arith.constant 1 : i32
      %sub3A_433 = arith.subi %div3A_412, %sub3A_432 : i32
      %select_n3A_434 = arith.select %and3A_431, %sub3A_433, %div3A_412 : i32
      %add3A_435 = arith.constant 0 : i32
      %add3A_436 = arith.addi %add3A_435, %select_n3A_434 : i32
      %jit3A_437 = arith.constant 1 : i32
      %eq3A_438 = arith.constant 0 : i32
      %eq3A_439 = arith.cmpi eq, %jit3A_437, %eq3A_438 : i32
      %jit3A_440 = arith.constant 1 : i32
      %select_n3A_441 = arith.select %eq3A_439, %jit3A_440, %jit3A_437 : i32
      %rem3A_442 = arith.remsi %add3A_372, %select_n3A_441 : i32
      %ne3A_443 = arith.constant 0 : i32
      %ne3A_444 = arith.cmpi ne, %rem3A_442, %ne3A_443 : i32
      %lt3A_445 = arith.constant 0 : i32
      %lt3A_446 = arith.cmpi slt, %rem3A_442, %lt3A_445 : i32
      %lt3A_447 = arith.constant 0 : i32
      %lt3A_448 = arith.cmpi slt, %select_n3A_441, %lt3A_447 : i32
      %ne3A_449 = arith.xori %lt3A_446, %lt3A_448 : i1
      %and3A_450 = arith.andi %ne3A_449, %ne3A_444 : i1
      %add3A_451 = arith.addi %rem3A_442, %select_n3A_441 : i32
      %select_n3A_452 = arith.select %and3A_450, %add3A_451, %rem3A_442 : i32
      %sub3A_453 = arith.constant 0 : i32
      %sub3A_454 = arith.subi %add3A_436, %sub3A_453 : i32
      %mul3A_455 = arith.constant 4096 : i32
      %mul3A_456 = arith.muli %sub3A_454, %mul3A_455 : i32
      %jit3A_457 = arith.constant 1 : i32
      %eq3A_458 = arith.constant 0 : i32
      %eq3A_459 = arith.cmpi eq, %jit3A_457, %eq3A_458 : i32
      %jit3A_460 = arith.constant 1 : i32
      %select_n3A_461 = arith.select %eq3A_459, %jit3A_460, %jit3A_457 : i32
      %rem3A_462 = arith.remsi %add3A_372, %select_n3A_461 : i32
      %ne3A_463 = arith.constant 0 : i32
      %ne3A_464 = arith.cmpi ne, %rem3A_462, %ne3A_463 : i32
      %lt3A_465 = arith.constant 0 : i32
      %lt3A_466 = arith.cmpi slt, %rem3A_462, %lt3A_465 : i32
      %lt3A_467 = arith.constant 0 : i32
      %lt3A_468 = arith.cmpi slt, %select_n3A_461, %lt3A_467 : i32
      %ne3A_469 = arith.xori %lt3A_466, %lt3A_468 : i1
      %and3A_470 = arith.andi %ne3A_469, %ne3A_464 : i1
      %add3A_471 = arith.addi %rem3A_462, %select_n3A_461 : i32
      %select_n3A_472 = arith.select %and3A_470, %add3A_471, %rem3A_462 : i32
      %mul3A_473 = arith.constant 32 : i32
      %mul3A_474 = arith.muli %select_n3A_472, %mul3A_473 : i32
      %add3A_475 = arith.addi %mul3A_474, %add3A : i32
      %mul3A_476 = arith.constant 128 : i32
      %mul3A_477 = arith.muli %add3A_475, %mul3A_476 : i32
      %add3A_478 = arith.addi %mul3A_456, %mul3A_477 : i32
      %dma_start3A_479 = arith.constant 0 : i32
      %dma_start3A_480 = tpu.memref_slice %arg4[%add3A_478, %dma_start3A_479] : memref<204800x128xf32, #tpu.memory_space<hbm>> -> memref<128x128xf32, #tpu.memory_space<hbm>>
      %dma_start3A_481 = arith.constant 0 : i32
      %dma_start3A_482 = tpu.memref_slice %arg4[%add3A_478, %dma_start3A_481] : memref<204800x128xf32, #tpu.memory_space<hbm>> -> memref<128x128xf32, #tpu.memory_space<hbm>>
      tpu.enqueue_dma source(%arg6 : memref<128x128xf32, #tpu.memory_space<vmem>>) target(%dma_start3A_482 : memref<128x128xf32, #tpu.memory_space<hbm>>) target_semaphore(%arg16 : memref<!tpu.dma_semaphore, #tpu.memory_space<semaphore_mem>>)
      %sub3A_483 = arith.constant 2 : i32
      %sub3A_484 = arith.subi %add3A_372, %sub3A_483 : i32
      %jit3A_485 = arith.constant 1 : i32
      %div3A_486 = arith.divsi %sub3A_484, %jit3A_485 : i32
      %sign3A_487 = arith.constant 0 : i32
      %sign3A_488 = arith.cmpi sgt, %sub3A_484, %sign3A_487 : i32
      %sign3A_489 = arith.extui %sign3A_488 : i1 to i32
      %sign3A_490 = arith.constant 0 : i32
      %sign3A_491 = arith.cmpi slt, %sub3A_484, %sign3A_490 : i32
      %sign3A_492 = arith.extui %sign3A_491 : i1 to i32
      %sign3A_493 = arith.subi %sign3A_489, %sign3A_492 : i32
      %sign3A_494 = arith.constant 0 : i32
      %sign3A_495 = arith.cmpi sgt, %jit3A_485, %sign3A_494 : i32
      %sign3A_496 = arith.extui %sign3A_495 : i1 to i32
      %sign3A_497 = arith.constant 0 : i32
      %sign3A_498 = arith.cmpi slt, %jit3A_485, %sign3A_497 : i32
      %sign3A_499 = arith.extui %sign3A_498 : i1 to i32
      %sign3A_500 = arith.subi %sign3A_496, %sign3A_499 : i32
      %ne3A_501 = arith.cmpi ne, %sign3A_493, %sign3A_500 : i32
      %rem3A_502 = arith.remsi %sub3A_484, %jit3A_485 : i32
      %ne3A_503 = arith.constant 0 : i32
      %ne3A_504 = arith.cmpi ne, %rem3A_502, %ne3A_503 : i32
      %and3A_505 = arith.andi %ne3A_501, %ne3A_504 : i1
      %sub3A_506 = arith.constant 1 : i32
      %sub3A_507 = arith.subi %div3A_486, %sub3A_506 : i32
      %select_n3A_508 = arith.select %and3A_505, %sub3A_507, %div3A_486 : i32
      %add3A_509 = arith.constant 0 : i32
      %add3A_510 = arith.addi %add3A_509, %select_n3A_508 : i32
      %jit3A_511 = arith.constant 1 : i32
      %eq3A_512 = arith.constant 0 : i32
      %eq3A_513 = arith.cmpi eq, %jit3A_511, %eq3A_512 : i32
      %jit3A_514 = arith.constant 1 : i32
      %select_n3A_515 = arith.select %eq3A_513, %jit3A_514, %jit3A_511 : i32
      %rem3A_516 = arith.remsi %sub3A_484, %select_n3A_515 : i32
      %ne3A_517 = arith.constant 0 : i32
      %ne3A_518 = arith.cmpi ne, %rem3A_516, %ne3A_517 : i32
      %lt3A_519 = arith.constant 0 : i32
      %lt3A_520 = arith.cmpi slt, %rem3A_516, %lt3A_519 : i32
      %lt3A_521 = arith.constant 0 : i32
      %lt3A_522 = arith.cmpi slt, %select_n3A_515, %lt3A_521 : i32
      %ne3A_523 = arith.xori %lt3A_520, %lt3A_522 : i1
      %and3A_524 = arith.andi %ne3A_523, %ne3A_518 : i1
      %add3A_525 = arith.addi %rem3A_516, %select_n3A_515 : i32
      %select_n3A_526 = arith.select %and3A_524, %add3A_525, %rem3A_516 : i32
      %sub3A_527 = arith.constant 0 : i32
      %sub3A_528 = arith.subi %add3A_510, %sub3A_527 : i32
      %mul3A_529 = arith.constant 4096 : i32
      %mul3A_530 = arith.muli %sub3A_528, %mul3A_529 : i32
      %jit3A_531 = arith.constant 1 : i32
      %eq3A_532 = arith.constant 0 : i32
      %eq3A_533 = arith.cmpi eq, %jit3A_531, %eq3A_532 : i32
      %jit3A_534 = arith.constant 1 : i32
      %select_n3A_535 = arith.select %eq3A_533, %jit3A_534, %jit3A_531 : i32
      %rem3A_536 = arith.remsi %sub3A_484, %select_n3A_535 : i32
      %ne3A_537 = arith.constant 0 : i32
      %ne3A_538 = arith.cmpi ne, %rem3A_536, %ne3A_537 : i32
      %lt3A_539 = arith.constant 0 : i32
      %lt3A_540 = arith.cmpi slt, %rem3A_536, %lt3A_539 : i32
      %lt3A_541 = arith.constant 0 : i32
      %lt3A_542 = arith.cmpi slt, %select_n3A_535, %lt3A_541 : i32
      %ne3A_543 = arith.xori %lt3A_540, %lt3A_542 : i1
      %and3A_544 = arith.andi %ne3A_543, %ne3A_538 : i1
      %add3A_545 = arith.addi %rem3A_536, %select_n3A_535 : i32
      %select_n3A_546 = arith.select %and3A_544, %add3A_545, %rem3A_536 : i32
      %mul3A_547 = arith.constant 32 : i32
      %mul3A_548 = arith.muli %select_n3A_546, %mul3A_547 : i32
      %add3A_549 = arith.addi %mul3A_548, %add3A : i32
      %mul3A_550 = arith.constant 128 : i32
      %mul3A_551 = arith.muli %add3A_549, %mul3A_550 : i32
      %add3A_552 = arith.addi %mul3A_530, %mul3A_551 : i32
      %dma_wait3A_553 = arith.constant 0 : i32
      %dma_wait3A_554 = tpu.memref_slice %arg4[%add3A_552, %dma_wait3A_553] : memref<204800x128xf32, #tpu.memory_space<hbm>> -> memref<128x128xf32, #tpu.memory_space<hbm>>
      %dma_wait3A_555 = arith.constant 0 : i32
      %dma_wait3A_556 = tpu.memref_slice %arg4[%add3A_552, %dma_wait3A_555] : memref<204800x128xf32, #tpu.memory_space<hbm>> -> memref<128x128xf32, #tpu.memory_space<hbm>>
      tpu.wait_dma2 semaphore(%arg19 : memref<!tpu.dma_semaphore, #tpu.memory_space<semaphore_mem>>) src(%arg9 : memref<128x128xf32, #tpu.memory_space<vmem>>) dst(%dma_wait3A_556 : memref<128x128xf32, #tpu.memory_space<hbm>>)
      %add3A_557 = arith.constant 3 : i32
      %add3A_558 = arith.addi %add3A_372, %add3A_557 : i32
      %jit3A_559 = arith.constant 1 : i32
      %div3A_560 = arith.divsi %add3A_558, %jit3A_559 : i32
      %sign3A_561 = arith.constant 0 : i32
      %sign3A_562 = arith.cmpi sgt, %add3A_558, %sign3A_561 : i32
      %sign3A_563 = arith.extui %sign3A_562 : i1 to i32
      %sign3A_564 = arith.constant 0 : i32
      %sign3A_565 = arith.cmpi slt, %add3A_558, %sign3A_564 : i32
      %sign3A_566 = arith.extui %sign3A_565 : i1 to i32
      %sign3A_567 = arith.subi %sign3A_563, %sign3A_566 : i32
      %sign3A_568 = arith.constant 0 : i32
      %sign3A_569 = arith.cmpi sgt, %jit3A_559, %sign3A_568 : i32
      %sign3A_570 = arith.extui %sign3A_569 : i1 to i32
      %sign3A_571 = arith.constant 0 : i32
      %sign3A_572 = arith.cmpi slt, %jit3A_559, %sign3A_571 : i32
      %sign3A_573 = arith.extui %sign3A_572 : i1 to i32
      %sign3A_574 = arith.subi %sign3A_570, %sign3A_573 : i32
      %ne3A_575 = arith.cmpi ne, %sign3A_567, %sign3A_574 : i32
      %rem3A_576 = arith.remsi %add3A_558, %jit3A_559 : i32
      %ne3A_577 = arith.constant 0 : i32
      %ne3A_578 = arith.cmpi ne, %rem3A_576, %ne3A_577 : i32
      %and3A_579 = arith.andi %ne3A_575, %ne3A_578 : i1
      %sub3A_580 = arith.constant 1 : i32
      %sub3A_581 = arith.subi %div3A_560, %sub3A_580 : i32
      %select_n3A_582 = arith.select %and3A_579, %sub3A_581, %div3A_560 : i32
      %add3A_583 = arith.constant 0 : i32
      %add3A_584 = arith.addi %add3A_583, %select_n3A_582 : i32
      %jit3A_585 = arith.constant 1 : i32
      %eq3A_586 = arith.constant 0 : i32
      %eq3A_587 = arith.cmpi eq, %jit3A_585, %eq3A_586 : i32
      %jit3A_588 = arith.constant 1 : i32
      %select_n3A_589 = arith.select %eq3A_587, %jit3A_588, %jit3A_585 : i32
      %rem3A_590 = arith.remsi %add3A_558, %select_n3A_589 : i32
      %ne3A_591 = arith.constant 0 : i32
      %ne3A_592 = arith.cmpi ne, %rem3A_590, %ne3A_591 : i32
      %lt3A_593 = arith.constant 0 : i32
      %lt3A_594 = arith.cmpi slt, %rem3A_590, %lt3A_593 : i32
      %lt3A_595 = arith.constant 0 : i32
      %lt3A_596 = arith.cmpi slt, %select_n3A_589, %lt3A_595 : i32
      %ne3A_597 = arith.xori %lt3A_594, %lt3A_596 : i1
      %and3A_598 = arith.andi %ne3A_597, %ne3A_592 : i1
      %add3A_599 = arith.addi %rem3A_590, %select_n3A_589 : i32
      %select_n3A_600 = arith.select %and3A_598, %add3A_599, %rem3A_590 : i32
      %dma_start3A_601 = arith.constant 0 : i32
      %dma_start3A_602 = tpu.memref_slice %arg5[%select_n3A_600, %add3A_584, %dma_start3A_601] : memref<1x50x128xi32, #tpu.memory_space<vmem>> -> memref<1x1x128xi32, #tpu.memory_space<vmem>>
      %dma_start3A_603 = tpu.memref_squeeze %dma_start3A_602 : memref<1x1x128xi32, #tpu.memory_space<vmem>> -> memref<128xi32, #tpu.memory_space<vmem>>
      %dma_start3A_604 = arith.constant 0 : i32
      %dma_start3A_605 = arith.constant 0 : i32
      %dma_start3A_606 = tpu.memref_slice %arg2[%dma_start3A_604, %dma_start3A_605] : memref<100002x128xf32, #tpu.memory_space<hbm>> -> memref<100002x128xf32, #tpu.memory_space<hbm>>
      tpu.enqueue_indirect_dma source(%dma_start3A_606 : memref<100002x128xf32, #tpu.memory_space<hbm>>) target(%arg9 : memref<128x128xf32, #tpu.memory_space<vmem>>) offsets(%dma_start3A_603 : memref<128xi32, #tpu.memory_space<vmem>>) semaphore(%arg14 : memref<!tpu.dma_semaphore, #tpu.memory_space<semaphore_mem>>)
      %mul3A_607 = arith.constant 5 : i32
      %mul3A_608 = arith.muli %mul3A_607, %scan3A_368 : i32
      %add3A_609 = arith.constant 1 : i32
      %add3A_610 = arith.addi %mul3A_608, %add3A_609 : i32
      %jit3A_611 = arith.constant 1 : i32
      %div3A_612 = arith.divsi %add3A_610, %jit3A_611 : i32
      %sign3A_613 = arith.constant 0 : i32
      %sign3A_614 = arith.cmpi sgt, %add3A_610, %sign3A_613 : i32
      %sign3A_615 = arith.extui %sign3A_614 : i1 to i32
      %sign3A_616 = arith.constant 0 : i32
      %sign3A_617 = arith.cmpi slt, %add3A_610, %sign3A_616 : i32
      %sign3A_618 = arith.extui %sign3A_617 : i1 to i32
      %sign3A_619 = arith.subi %sign3A_615, %sign3A_618 : i32
      %sign3A_620 = arith.constant 0 : i32
      %sign3A_621 = arith.cmpi sgt, %jit3A_611, %sign3A_620 : i32
      %sign3A_622 = arith.extui %sign3A_621 : i1 to i32
      %sign3A_623 = arith.constant 0 : i32
      %sign3A_624 = arith.cmpi slt, %jit3A_611, %sign3A_623 : i32
      %sign3A_625 = arith.extui %sign3A_624 : i1 to i32
      %sign3A_626 = arith.subi %sign3A_622, %sign3A_625 : i32
      %ne3A_627 = arith.cmpi ne, %sign3A_619, %sign3A_626 : i32
      %rem3A_628 = arith.remsi %add3A_610, %jit3A_611 : i32
      %ne3A_629 = arith.constant 0 : i32
      %ne3A_630 = arith.cmpi ne, %rem3A_628, %ne3A_629 : i32
      %and3A_631 = arith.andi %ne3A_627, %ne3A_630 : i1
      %sub3A_632 = arith.constant 1 : i32
      %sub3A_633 = arith.subi %div3A_612, %sub3A_632 : i32
      %select_n3A_634 = arith.select %and3A_631, %sub3A_633, %div3A_612 : i32
      %add3A_635 = arith.constant 0 : i32
      %add3A_636 = arith.addi %add3A_635, %select_n3A_634 : i32
      %jit3A_637 = arith.constant 1 : i32
      %eq3A_638 = arith.constant 0 : i32
      %eq3A_639 = arith.cmpi eq, %jit3A_637, %eq3A_638 : i32
      %jit3A_640 = arith.constant 1 : i32
      %select_n3A_641 = arith.select %eq3A_639, %jit3A_640, %jit3A_637 : i32
      %rem3A_642 = arith.remsi %add3A_610, %select_n3A_641 : i32
      %ne3A_643 = arith.constant 0 : i32
      %ne3A_644 = arith.cmpi ne, %rem3A_642, %ne3A_643 : i32
      %lt3A_645 = arith.constant 0 : i32
      %lt3A_646 = arith.cmpi slt, %rem3A_642, %lt3A_645 : i32
      %lt3A_647 = arith.constant 0 : i32
      %lt3A_648 = arith.cmpi slt, %select_n3A_641, %lt3A_647 : i32
      %ne3A_649 = arith.xori %lt3A_646, %lt3A_648 : i1
      %and3A_650 = arith.andi %ne3A_649, %ne3A_644 : i1
      %add3A_651 = arith.addi %rem3A_642, %select_n3A_641 : i32
      %select_n3A_652 = arith.select %and3A_650, %add3A_651, %rem3A_642 : i32
      %dma_wait3A_653 = arith.constant 0 : i32
      %dma_wait3A_654 = tpu.memref_slice %arg5[%select_n3A_652, %add3A_636, %dma_wait3A_653] : memref<1x50x128xi32, #tpu.memory_space<vmem>> -> memref<1x1x128xi32, #tpu.memory_space<vmem>>
      %dma_wait3A_655 = tpu.memref_squeeze %dma_wait3A_654 : memref<1x1x128xi32, #tpu.memory_space<vmem>> -> memref<128xi32, #tpu.memory_space<vmem>>
      %dma_wait3A_656 = arith.constant 0 : i32
      %dma_wait3A_657 = arith.constant 0 : i32
      %dma_wait3A_658 = tpu.memref_slice %arg2[%dma_wait3A_656, %dma_wait3A_657] : memref<100002x128xf32, #tpu.memory_space<hbm>> -> memref<100002x128xf32, #tpu.memory_space<hbm>>
      tpu.wait_indirect_dma semaphore(%arg12 : memref<!tpu.dma_semaphore, #tpu.memory_space<semaphore_mem>>) src(%dma_wait3A_658 : memref<100002x128xf32, #tpu.memory_space<hbm>>) dst(%arg7 : memref<128x128xf32, #tpu.memory_space<vmem>>)
      %jit3A_659 = arith.constant 1 : i32
      %div3A_660 = arith.divsi %add3A_610, %jit3A_659 : i32
      %sign3A_661 = arith.constant 0 : i32
      %sign3A_662 = arith.cmpi sgt, %add3A_610, %sign3A_661 : i32
      %sign3A_663 = arith.extui %sign3A_662 : i1 to i32
      %sign3A_664 = arith.constant 0 : i32
      %sign3A_665 = arith.cmpi slt, %add3A_610, %sign3A_664 : i32
      %sign3A_666 = arith.extui %sign3A_665 : i1 to i32
      %sign3A_667 = arith.subi %sign3A_663, %sign3A_666 : i32
      %sign3A_668 = arith.constant 0 : i32
      %sign3A_669 = arith.cmpi sgt, %jit3A_659, %sign3A_668 : i32
      %sign3A_670 = arith.extui %sign3A_669 : i1 to i32
      %sign3A_671 = arith.constant 0 : i32
      %sign3A_672 = arith.cmpi slt, %jit3A_659, %sign3A_671 : i32
      %sign3A_673 = arith.extui %sign3A_672 : i1 to i32
      %sign3A_674 = arith.subi %sign3A_670, %sign3A_673 : i32
      %ne3A_675 = arith.cmpi ne, %sign3A_667, %sign3A_674 : i32
      %rem3A_676 = arith.remsi %add3A_610, %jit3A_659 : i32
      %ne3A_677 = arith.constant 0 : i32
      %ne3A_678 = arith.cmpi ne, %rem3A_676, %ne3A_677 : i32
      %and3A_679 = arith.andi %ne3A_675, %ne3A_678 : i1
      %sub3A_680 = arith.constant 1 : i32
      %sub3A_681 = arith.subi %div3A_660, %sub3A_680 : i32
      %select_n3A_682 = arith.select %and3A_679, %sub3A_681, %div3A_660 : i32
      %add3A_683 = arith.constant 0 : i32
      %add3A_684 = arith.addi %add3A_683, %select_n3A_682 : i32
      %jit3A_685 = arith.constant 1 : i32
      %eq3A_686 = arith.constant 0 : i32
      %eq3A_687 = arith.cmpi eq, %jit3A_685, %eq3A_686 : i32
      %jit3A_688 = arith.constant 1 : i32
      %select_n3A_689 = arith.select %eq3A_687, %jit3A_688, %jit3A_685 : i32
      %rem3A_690 = arith.remsi %add3A_610, %select_n3A_689 : i32
      %ne3A_691 = arith.constant 0 : i32
      %ne3A_692 = arith.cmpi ne, %rem3A_690, %ne3A_691 : i32
      %lt3A_693 = arith.constant 0 : i32
      %lt3A_694 = arith.cmpi slt, %rem3A_690, %lt3A_693 : i32
      %lt3A_695 = arith.constant 0 : i32
      %lt3A_696 = arith.cmpi slt, %select_n3A_689, %lt3A_695 : i32
      %ne3A_697 = arith.xori %lt3A_694, %lt3A_696 : i1
      %and3A_698 = arith.andi %ne3A_697, %ne3A_692 : i1
      %add3A_699 = arith.addi %rem3A_690, %select_n3A_689 : i32
      %select_n3A_700 = arith.select %and3A_698, %add3A_699, %rem3A_690 : i32
      %sub3A_701 = arith.constant 0 : i32
      %sub3A_702 = arith.subi %add3A_684, %sub3A_701 : i32
      %mul3A_703 = arith.constant 4096 : i32
      %mul3A_704 = arith.muli %sub3A_702, %mul3A_703 : i32
      %jit3A_705 = arith.constant 1 : i32
      %eq3A_706 = arith.constant 0 : i32
      %eq3A_707 = arith.cmpi eq, %jit3A_705, %eq3A_706 : i32
      %jit3A_708 = arith.constant 1 : i32
      %select_n3A_709 = arith.select %eq3A_707, %jit3A_708, %jit3A_705 : i32
      %rem3A_710 = arith.remsi %add3A_610, %select_n3A_709 : i32
      %ne3A_711 = arith.constant 0 : i32
      %ne3A_712 = arith.cmpi ne, %rem3A_710, %ne3A_711 : i32
      %lt3A_713 = arith.constant 0 : i32
      %lt3A_714 = arith.cmpi slt, %rem3A_710, %lt3A_713 : i32
      %lt3A_715 = arith.constant 0 : i32
      %lt3A_716 = arith.cmpi slt, %select_n3A_709, %lt3A_715 : i32
      %ne3A_717 = arith.xori %lt3A_714, %lt3A_716 : i1
      %and3A_718 = arith.andi %ne3A_717, %ne3A_712 : i1
      %add3A_719 = arith.addi %rem3A_710, %select_n3A_709 : i32
      %select_n3A_720 = arith.select %and3A_718, %add3A_719, %rem3A_710 : i32
      %mul3A_721 = arith.constant 32 : i32
      %mul3A_722 = arith.muli %select_n3A_720, %mul3A_721 : i32
      %add3A_723 = arith.addi %mul3A_722, %add3A : i32
      %mul3A_724 = arith.constant 128 : i32
      %mul3A_725 = arith.muli %add3A_723, %mul3A_724 : i32
      %add3A_726 = arith.addi %mul3A_704, %mul3A_725 : i32
      %dma_start3A_727 = arith.constant 0 : i32
      %dma_start3A_728 = tpu.memref_slice %arg4[%add3A_726, %dma_start3A_727] : memref<204800x128xf32, #tpu.memory_space<hbm>> -> memref<128x128xf32, #tpu.memory_space<hbm>>
      %dma_start3A_729 = arith.constant 0 : i32
      %dma_start3A_730 = tpu.memref_slice %arg4[%add3A_726, %dma_start3A_729] : memref<204800x128xf32, #tpu.memory_space<hbm>> -> memref<128x128xf32, #tpu.memory_space<hbm>>
      tpu.enqueue_dma source(%arg7 : memref<128x128xf32, #tpu.memory_space<vmem>>) target(%dma_start3A_730 : memref<128x128xf32, #tpu.memory_space<hbm>>) target_semaphore(%arg17 : memref<!tpu.dma_semaphore, #tpu.memory_space<semaphore_mem>>)
      %sub3A_731 = arith.constant 2 : i32
      %sub3A_732 = arith.subi %add3A_610, %sub3A_731 : i32
      %jit3A_733 = arith.constant 1 : i32
      %div3A_734 = arith.divsi %sub3A_732, %jit3A_733 : i32
      %sign3A_735 = arith.constant 0 : i32
      %sign3A_736 = arith.cmpi sgt, %sub3A_732, %sign3A_735 : i32
      %sign3A_737 = arith.extui %sign3A_736 : i1 to i32
      %sign3A_738 = arith.constant 0 : i32
      %sign3A_739 = arith.cmpi slt, %sub3A_732, %sign3A_738 : i32
      %sign3A_740 = arith.extui %sign3A_739 : i1 to i32
      %sign3A_741 = arith.subi %sign3A_737, %sign3A_740 : i32
      %sign3A_742 = arith.constant 0 : i32
      %sign3A_743 = arith.cmpi sgt, %jit3A_733, %sign3A_742 : i32
      %sign3A_744 = arith.extui %sign3A_743 : i1 to i32
      %sign3A_745 = arith.constant 0 : i32
      %sign3A_746 = arith.cmpi slt, %jit3A_733, %sign3A_745 : i32
      %sign3A_747 = arith.extui %sign3A_746 : i1 to i32
      %sign3A_748 = arith.subi %sign3A_744, %sign3A_747 : i32
      %ne3A_749 = arith.cmpi ne, %sign3A_741, %sign3A_748 : i32
      %rem3A_750 = arith.remsi %sub3A_732, %jit3A_733 : i32
      %ne3A_751 = arith.constant 0 : i32
      %ne3A_752 = arith.cmpi ne, %rem3A_750, %ne3A_751 : i32
      %and3A_753 = arith.andi %ne3A_749, %ne3A_752 : i1
      %sub3A_754 = arith.constant 1 : i32
      %sub3A_755 = arith.subi %div3A_734, %sub3A_754 : i32
      %select_n3A_756 = arith.select %and3A_753, %sub3A_755, %div3A_734 : i32
      %add3A_757 = arith.constant 0 : i32
      %add3A_758 = arith.addi %add3A_757, %select_n3A_756 : i32
      %jit3A_759 = arith.constant 1 : i32
      %eq3A_760 = arith.constant 0 : i32
      %eq3A_761 = arith.cmpi eq, %jit3A_759, %eq3A_760 : i32
      %jit3A_762 = arith.constant 1 : i32
      %select_n3A_763 = arith.select %eq3A_761, %jit3A_762, %jit3A_759 : i32
      %rem3A_764 = arith.remsi %sub3A_732, %select_n3A_763 : i32
      %ne3A_765 = arith.constant 0 : i32
      %ne3A_766 = arith.cmpi ne, %rem3A_764, %ne3A_765 : i32
      %lt3A_767 = arith.constant 0 : i32
      %lt3A_768 = arith.cmpi slt, %rem3A_764, %lt3A_767 : i32
      %lt3A_769 = arith.constant 0 : i32
      %lt3A_770 = arith.cmpi slt, %select_n3A_763, %lt3A_769 : i32
      %ne3A_771 = arith.xori %lt3A_768, %lt3A_770 : i1
      %and3A_772 = arith.andi %ne3A_771, %ne3A_766 : i1
      %add3A_773 = arith.addi %rem3A_764, %select_n3A_763 : i32
      %select_n3A_774 = arith.select %and3A_772, %add3A_773, %rem3A_764 : i32
      %sub3A_775 = arith.constant 0 : i32
      %sub3A_776 = arith.subi %add3A_758, %sub3A_775 : i32
      %mul3A_777 = arith.constant 4096 : i32
      %mul3A_778 = arith.muli %sub3A_776, %mul3A_777 : i32
      %jit3A_779 = arith.constant 1 : i32
      %eq3A_780 = arith.constant 0 : i32
      %eq3A_781 = arith.cmpi eq, %jit3A_779, %eq3A_780 : i32
      %jit3A_782 = arith.constant 1 : i32
      %select_n3A_783 = arith.select %eq3A_781, %jit3A_782, %jit3A_779 : i32
      %rem3A_784 = arith.remsi %sub3A_732, %select_n3A_783 : i32
      %ne3A_785 = arith.constant 0 : i32
      %ne3A_786 = arith.cmpi ne, %rem3A_784, %ne3A_785 : i32
      %lt3A_787 = arith.constant 0 : i32
      %lt3A_788 = arith.cmpi slt, %rem3A_784, %lt3A_787 : i32
      %lt3A_789 = arith.constant 0 : i32
      %lt3A_790 = arith.cmpi slt, %select_n3A_783, %lt3A_789 : i32
      %ne3A_791 = arith.xori %lt3A_788, %lt3A_790 : i1
      %and3A_792 = arith.andi %ne3A_791, %ne3A_786 : i1
      %add3A_793 = arith.addi %rem3A_784, %select_n3A_783 : i32
      %select_n3A_794 = arith.select %and3A_792, %add3A_793, %rem3A_784 : i32
      %mul3A_795 = arith.constant 32 : i32
      %mul3A_796 = arith.muli %select_n3A_794, %mul3A_795 : i32
      %add3A_797 = arith.addi %mul3A_796, %add3A : i32
      %mul3A_798 = arith.constant 128 : i32
      %mul3A_799 = arith.muli %add3A_797, %mul3A_798 : i32
      %add3A_800 = arith.addi %mul3A_778, %mul3A_799 : i32
      %dma_wait3A_801 = arith.constant 0 : i32
      %dma_wait3A_802 = tpu.memref_slice %arg4[%add3A_800, %dma_wait3A_801] : memref<204800x128xf32, #tpu.memory_space<hbm>> -> memref<128x128xf32, #tpu.memory_space<hbm>>
      %dma_wait3A_803 = arith.constant 0 : i32
      %dma_wait3A_804 = tpu.memref_slice %arg4[%add3A_800, %dma_wait3A_803] : memref<204800x128xf32, #tpu.memory_space<hbm>> -> memref<128x128xf32, #tpu.memory_space<hbm>>
      tpu.wait_dma2 semaphore(%arg20 : memref<!tpu.dma_semaphore, #tpu.memory_space<semaphore_mem>>) src(%arg10 : memref<128x128xf32, #tpu.memory_space<vmem>>) dst(%dma_wait3A_804 : memref<128x128xf32, #tpu.memory_space<hbm>>)
      %add3A_805 = arith.constant 3 : i32
      %add3A_806 = arith.addi %add3A_610, %add3A_805 : i32
      %jit3A_807 = arith.constant 1 : i32
      %div3A_808 = arith.divsi %add3A_806, %jit3A_807 : i32
      %sign3A_809 = arith.constant 0 : i32
      %sign3A_810 = arith.cmpi sgt, %add3A_806, %sign3A_809 : i32
      %sign3A_811 = arith.extui %sign3A_810 : i1 to i32
      %sign3A_812 = arith.constant 0 : i32
      %sign3A_813 = arith.cmpi slt, %add3A_806, %sign3A_812 : i32
      %sign3A_814 = arith.extui %sign3A_813 : i1 to i32
      %sign3A_815 = arith.subi %sign3A_811, %sign3A_814 : i32
      %sign3A_816 = arith.constant 0 : i32
      %sign3A_817 = arith.cmpi sgt, %jit3A_807, %sign3A_816 : i32
      %sign3A_818 = arith.extui %sign3A_817 : i1 to i32
      %sign3A_819 = arith.constant 0 : i32
      %sign3A_820 = arith.cmpi slt, %jit3A_807, %sign3A_819 : i32
      %sign3A_821 = arith.extui %sign3A_820 : i1 to i32
      %sign3A_822 = arith.subi %sign3A_818, %sign3A_821 : i32
      %ne3A_823 = arith.cmpi ne, %sign3A_815, %sign3A_822 : i32
      %rem3A_824 = arith.remsi %add3A_806, %jit3A_807 : i32
      %ne3A_825 = arith.constant 0 : i32
      %ne3A_826 = arith.cmpi ne, %rem3A_824, %ne3A_825 : i32
      %and3A_827 = arith.andi %ne3A_823, %ne3A_826 : i1
      %sub3A_828 = arith.constant 1 : i32
      %sub3A_829 = arith.subi %div3A_808, %sub3A_828 : i32
      %select_n3A_830 = arith.select %and3A_827, %sub3A_829, %div3A_808 : i32
      %add3A_831 = arith.constant 0 : i32
      %add3A_832 = arith.addi %add3A_831, %select_n3A_830 : i32
      %jit3A_833 = arith.constant 1 : i32
      %eq3A_834 = arith.constant 0 : i32
      %eq3A_835 = arith.cmpi eq, %jit3A_833, %eq3A_834 : i32
      %jit3A_836 = arith.constant 1 : i32
      %select_n3A_837 = arith.select %eq3A_835, %jit3A_836, %jit3A_833 : i32
      %rem3A_838 = arith.remsi %add3A_806, %select_n3A_837 : i32
      %ne3A_839 = arith.constant 0 : i32
      %ne3A_840 = arith.cmpi ne, %rem3A_838, %ne3A_839 : i32
      %lt3A_841 = arith.constant 0 : i32
      %lt3A_842 = arith.cmpi slt, %rem3A_838, %lt3A_841 : i32
      %lt3A_843 = arith.constant 0 : i32
      %lt3A_844 = arith.cmpi slt, %select_n3A_837, %lt3A_843 : i32
      %ne3A_845 = arith.xori %lt3A_842, %lt3A_844 : i1
      %and3A_846 = arith.andi %ne3A_845, %ne3A_840 : i1
      %add3A_847 = arith.addi %rem3A_838, %select_n3A_837 : i32
      %select_n3A_848 = arith.select %and3A_846, %add3A_847, %rem3A_838 : i32
      %dma_start3A_849 = arith.constant 0 : i32
      %dma_start3A_850 = tpu.memref_slice %arg5[%select_n3A_848, %add3A_832, %dma_start3A_849] : memref<1x50x128xi32, #tpu.memory_space<vmem>> -> memref<1x1x128xi32, #tpu.memory_space<vmem>>
      %dma_start3A_851 = tpu.memref_squeeze %dma_start3A_850 : memref<1x1x128xi32, #tpu.memory_space<vmem>> -> memref<128xi32, #tpu.memory_space<vmem>>
      %dma_start3A_852 = arith.constant 0 : i32
      %dma_start3A_853 = arith.constant 0 : i32
      %dma_start3A_854 = tpu.memref_slice %arg2[%dma_start3A_852, %dma_start3A_853] : memref<100002x128xf32, #tpu.memory_space<hbm>> -> memref<100002x128xf32, #tpu.memory_space<hbm>>
      tpu.enqueue_indirect_dma source(%dma_start3A_854 : memref<100002x128xf32, #tpu.memory_space<hbm>>) target(%arg10 : memref<128x128xf32, #tpu.memory_space<vmem>>) offsets(%dma_start3A_851 : memref<128xi32, #tpu.memory_space<vmem>>) semaphore(%arg15 : memref<!tpu.dma_semaphore, #tpu.memory_space<semaphore_mem>>)
      %mul3A_855 = arith.constant 5 : i32
      %mul3A_856 = arith.muli %mul3A_855, %scan3A_368 : i32
      %add3A_857 = arith.constant 2 : i32
      %add3A_858 = arith.addi %mul3A_856, %add3A_857 : i32
      %jit3A_859 = arith.constant 1 : i32
      %div3A_860 = arith.divsi %add3A_858, %jit3A_859 : i32
      %sign3A_861 = arith.constant 0 : i32
      %sign3A_862 = arith.cmpi sgt, %add3A_858, %sign3A_861 : i32
      %sign3A_863 = arith.extui %sign3A_862 : i1 to i32
      %sign3A_864 = arith.constant 0 : i32
      %sign3A_865 = arith.cmpi slt, %add3A_858, %sign3A_864 : i32
      %sign3A_866 = arith.extui %sign3A_865 : i1 to i32
      %sign3A_867 = arith.subi %sign3A_863, %sign3A_866 : i32
      %sign3A_868 = arith.constant 0 : i32
      %sign3A_869 = arith.cmpi sgt, %jit3A_859, %sign3A_868 : i32
      %sign3A_870 = arith.extui %sign3A_869 : i1 to i32
      %sign3A_871 = arith.constant 0 : i32
      %sign3A_872 = arith.cmpi slt, %jit3A_859, %sign3A_871 : i32
      %sign3A_873 = arith.extui %sign3A_872 : i1 to i32
      %sign3A_874 = arith.subi %sign3A_870, %sign3A_873 : i32
      %ne3A_875 = arith.cmpi ne, %sign3A_867, %sign3A_874 : i32
      %rem3A_876 = arith.remsi %add3A_858, %jit3A_859 : i32
      %ne3A_877 = arith.constant 0 : i32
      %ne3A_878 = arith.cmpi ne, %rem3A_876, %ne3A_877 : i32
      %and3A_879 = arith.andi %ne3A_875, %ne3A_878 : i1
      %sub3A_880 = arith.constant 1 : i32
      %sub3A_881 = arith.subi %div3A_860, %sub3A_880 : i32
      %select_n3A_882 = arith.select %and3A_879, %sub3A_881, %div3A_860 : i32
      %add3A_883 = arith.constant 0 : i32
      %add3A_884 = arith.addi %add3A_883, %select_n3A_882 : i32
      %jit3A_885 = arith.constant 1 : i32
      %eq3A_886 = arith.constant 0 : i32
      %eq3A_887 = arith.cmpi eq, %jit3A_885, %eq3A_886 : i32
      %jit3A_888 = arith.constant 1 : i32
      %select_n3A_889 = arith.select %eq3A_887, %jit3A_888, %jit3A_885 : i32
      %rem3A_890 = arith.remsi %add3A_858, %select_n3A_889 : i32
      %ne3A_891 = arith.constant 0 : i32
      %ne3A_892 = arith.cmpi ne, %rem3A_890, %ne3A_891 : i32
      %lt3A_893 = arith.constant 0 : i32
      %lt3A_894 = arith.cmpi slt, %rem3A_890, %lt3A_893 : i32
      %lt3A_895 = arith.constant 0 : i32
      %lt3A_896 = arith.cmpi slt, %select_n3A_889, %lt3A_895 : i32
      %ne3A_897 = arith.xori %lt3A_894, %lt3A_896 : i1
      %and3A_898 = arith.andi %ne3A_897, %ne3A_892 : i1
      %add3A_899 = arith.addi %rem3A_890, %select_n3A_889 : i32
      %select_n3A_900 = arith.select %and3A_898, %add3A_899, %rem3A_890 : i32
      %dma_wait3A_901 = arith.constant 0 : i32
      %dma_wait3A_902 = tpu.memref_slice %arg5[%select_n3A_900, %add3A_884, %dma_wait3A_901] : memref<1x50x128xi32, #tpu.memory_space<vmem>> -> memref<1x1x128xi32, #tpu.memory_space<vmem>>
      %dma_wait3A_903 = tpu.memref_squeeze %dma_wait3A_902 : memref<1x1x128xi32, #tpu.memory_space<vmem>> -> memref<128xi32, #tpu.memory_space<vmem>>
      %dma_wait3A_904 = arith.constant 0 : i32
      %dma_wait3A_905 = arith.constant 0 : i32
      %dma_wait3A_906 = tpu.memref_slice %arg2[%dma_wait3A_904, %dma_wait3A_905] : memref<100002x128xf32, #tpu.memory_space<hbm>> -> memref<100002x128xf32, #tpu.memory_space<hbm>>
      tpu.wait_indirect_dma semaphore(%arg13 : memref<!tpu.dma_semaphore, #tpu.memory_space<semaphore_mem>>) src(%dma_wait3A_906 : memref<100002x128xf32, #tpu.memory_space<hbm>>) dst(%arg8 : memref<128x128xf32, #tpu.memory_space<vmem>>)
      %jit3A_907 = arith.constant 1 : i32
      %div3A_908 = arith.divsi %add3A_858, %jit3A_907 : i32
      %sign3A_909 = arith.constant 0 : i32
      %sign3A_910 = arith.cmpi sgt, %add3A_858, %sign3A_909 : i32
      %sign3A_911 = arith.extui %sign3A_910 : i1 to i32
      %sign3A_912 = arith.constant 0 : i32
      %sign3A_913 = arith.cmpi slt, %add3A_858, %sign3A_912 : i32
      %sign3A_914 = arith.extui %sign3A_913 : i1 to i32
      %sign3A_915 = arith.subi %sign3A_911, %sign3A_914 : i32
      %sign3A_916 = arith.constant 0 : i32
      %sign3A_917 = arith.cmpi sgt, %jit3A_907, %sign3A_916 : i32
      %sign3A_918 = arith.extui %sign3A_917 : i1 to i32
      %sign3A_919 = arith.constant 0 : i32
      %sign3A_920 = arith.cmpi slt, %jit3A_907, %sign3A_919 : i32
      %sign3A_921 = arith.extui %sign3A_920 : i1 to i32
      %sign3A_922 = arith.subi %sign3A_918, %sign3A_921 : i32
      %ne3A_923 = arith.cmpi ne, %sign3A_915, %sign3A_922 : i32
      %rem3A_924 = arith.remsi %add3A_858, %jit3A_907 : i32
      %ne3A_925 = arith.constant 0 : i32
      %ne3A_926 = arith.cmpi ne, %rem3A_924, %ne3A_925 : i32
      %and3A_927 = arith.andi %ne3A_923, %ne3A_926 : i1
      %sub3A_928 = arith.constant 1 : i32
      %sub3A_929 = arith.subi %div3A_908, %sub3A_928 : i32
      %select_n3A_930 = arith.select %and3A_927, %sub3A_929, %div3A_908 : i32
      %add3A_931 = arith.constant 0 : i32
      %add3A_932 = arith.addi %add3A_931, %select_n3A_930 : i32
      %jit3A_933 = arith.constant 1 : i32
      %eq3A_934 = arith.constant 0 : i32
      %eq3A_935 = arith.cmpi eq, %jit3A_933, %eq3A_934 : i32
      %jit3A_936 = arith.constant 1 : i32
      %select_n3A_937 = arith.select %eq3A_935, %jit3A_936, %jit3A_933 : i32
      %rem3A_938 = arith.remsi %add3A_858, %select_n3A_937 : i32
      %ne3A_939 = arith.constant 0 : i32
      %ne3A_940 = arith.cmpi ne, %rem3A_938, %ne3A_939 : i32
      %lt3A_941 = arith.constant 0 : i32
      %lt3A_942 = arith.cmpi slt, %rem3A_938, %lt3A_941 : i32
      %lt3A_943 = arith.constant 0 : i32
      %lt3A_944 = arith.cmpi slt, %select_n3A_937, %lt3A_943 : i32
      %ne3A_945 = arith.xori %lt3A_942, %lt3A_944 : i1
      %and3A_946 = arith.andi %ne3A_945, %ne3A_940 : i1
      %add3A_947 = arith.addi %rem3A_938, %select_n3A_937 : i32
      %select_n3A_948 = arith.select %and3A_946, %add3A_947, %rem3A_938 : i32
      %sub3A_949 = arith.constant 0 : i32
      %sub3A_950 = arith.subi %add3A_932, %sub3A_949 : i32
      %mul3A_951 = arith.constant 4096 : i32
      %mul3A_952 = arith.muli %sub3A_950, %mul3A_951 : i32
      %jit3A_953 = arith.constant 1 : i32
      %eq3A_954 = arith.constant 0 : i32
      %eq3A_955 = arith.cmpi eq, %jit3A_953, %eq3A_954 : i32
      %jit3A_956 = arith.constant 1 : i32
      %select_n3A_957 = arith.select %eq3A_955, %jit3A_956, %jit3A_953 : i32
      %rem3A_958 = arith.remsi %add3A_858, %select_n3A_957 : i32
      %ne3A_959 = arith.constant 0 : i32
      %ne3A_960 = arith.cmpi ne, %rem3A_958, %ne3A_959 : i32
      %lt3A_961 = arith.constant 0 : i32
      %lt3A_962 = arith.cmpi slt, %rem3A_958, %lt3A_961 : i32
      %lt3A_963 = arith.constant 0 : i32
      %lt3A_964 = arith.cmpi slt, %select_n3A_957, %lt3A_963 : i32
      %ne3A_965 = arith.xori %lt3A_962, %lt3A_964 : i1
      %and3A_966 = arith.andi %ne3A_965, %ne3A_960 : i1
      %add3A_967 = arith.addi %rem3A_958, %select_n3A_957 : i32
      %select_n3A_968 = arith.select %and3A_966, %add3A_967, %rem3A_958 : i32
      %mul3A_969 = arith.constant 32 : i32
      %mul3A_970 = arith.muli %select_n3A_968, %mul3A_969 : i32
      %add3A_971 = arith.addi %mul3A_970, %add3A : i32
      %mul3A_972 = arith.constant 128 : i32
      %mul3A_973 = arith.muli %add3A_971, %mul3A_972 : i32
      %add3A_974 = arith.addi %mul3A_952, %mul3A_973 : i32
      %dma_start3A_975 = arith.constant 0 : i32
      %dma_start3A_976 = tpu.memref_slice %arg4[%add3A_974, %dma_start3A_975] : memref<204800x128xf32, #tpu.memory_space<hbm>> -> memref<128x128xf32, #tpu.memory_space<hbm>>
      %dma_start3A_977 = arith.constant 0 : i32
      %dma_start3A_978 = tpu.memref_slice %arg4[%add3A_974, %dma_start3A_977] : memref<204800x128xf32, #tpu.memory_space<hbm>> -> memref<128x128xf32, #tpu.memory_space<hbm>>
      tpu.enqueue_dma source(%arg8 : memref<128x128xf32, #tpu.memory_space<vmem>>) target(%dma_start3A_978 : memref<128x128xf32, #tpu.memory_space<hbm>>) target_semaphore(%arg18 : memref<!tpu.dma_semaphore, #tpu.memory_space<semaphore_mem>>)
      %sub3A_979 = arith.constant 2 : i32
      %sub3A_980 = arith.subi %add3A_858, %sub3A_979 : i32
      %jit3A_981 = arith.constant 1 : i32
      %div3A_982 = arith.divsi %sub3A_980, %jit3A_981 : i32
      %sign3A_983 = arith.constant 0 : i32
      %sign3A_984 = arith.cmpi sgt, %sub3A_980, %sign3A_983 : i32
      %sign3A_985 = arith.extui %sign3A_984 : i1 to i32
      %sign3A_986 = arith.constant 0 : i32
      %sign3A_987 = arith.cmpi slt, %sub3A_980, %sign3A_986 : i32
      %sign3A_988 = arith.extui %sign3A_987 : i1 to i32
      %sign3A_989 = arith.subi %sign3A_985, %sign3A_988 : i32
      %sign3A_990 = arith.constant 0 : i32
      %sign3A_991 = arith.cmpi sgt, %jit3A_981, %sign3A_990 : i32
      %sign3A_992 = arith.extui %sign3A_991 : i1 to i32
      %sign3A_993 = arith.constant 0 : i32
      %sign3A_994 = arith.cmpi slt, %jit3A_981, %sign3A_993 : i32
      %sign3A_995 = arith.extui %sign3A_994 : i1 to i32
      %sign3A_996 = arith.subi %sign3A_992, %sign3A_995 : i32
      %ne3A_997 = arith.cmpi ne, %sign3A_989, %sign3A_996 : i32
      %rem3A_998 = arith.remsi %sub3A_980, %jit3A_981 : i32
      %ne3A_999 = arith.constant 0 : i32
      %ne3A_1000 = arith.cmpi ne, %rem3A_998, %ne3A_999 : i32
      %and3A_1001 = arith.andi %ne3A_997, %ne3A_1000 : i1
      %sub3A_1002 = arith.constant 1 : i32
      %sub3A_1003 = arith.subi %div3A_982, %sub3A_1002 : i32
      %select_n3A_1004 = arith.select %and3A_1001, %sub3A_1003, %div3A_982 : i32
      %add3A_1005 = arith.constant 0 : i32
      %add3A_1006 = arith.addi %add3A_1005, %select_n3A_1004 : i32
      %jit3A_1007 = arith.constant 1 : i32
      %eq3A_1008 = arith.constant 0 : i32
      %eq3A_1009 = arith.cmpi eq, %jit3A_1007, %eq3A_1008 : i32
      %jit3A_1010 = arith.constant 1 : i32
      %select_n3A_1011 = arith.select %eq3A_1009, %jit3A_1010, %jit3A_1007 : i32
      %rem3A_1012 = arith.remsi %sub3A_980, %select_n3A_1011 : i32
      %ne3A_1013 = arith.constant 0 : i32
      %ne3A_1014 = arith.cmpi ne, %rem3A_1012, %ne3A_1013 : i32
      %lt3A_1015 = arith.constant 0 : i32
      %lt3A_1016 = arith.cmpi slt, %rem3A_1012, %lt3A_1015 : i32
      %lt3A_1017 = arith.constant 0 : i32
      %lt3A_1018 = arith.cmpi slt, %select_n3A_1011, %lt3A_1017 : i32
      %ne3A_1019 = arith.xori %lt3A_1016, %lt3A_1018 : i1
      %and3A_1020 = arith.andi %ne3A_1019, %ne3A_1014 : i1
      %add3A_1021 = arith.addi %rem3A_1012, %select_n3A_1011 : i32
      %select_n3A_1022 = arith.select %and3A_1020, %add3A_1021, %rem3A_1012 : i32
      %sub3A_1023 = arith.constant 0 : i32
      %sub3A_1024 = arith.subi %add3A_1006, %sub3A_1023 : i32
      %mul3A_1025 = arith.constant 4096 : i32
      %mul3A_1026 = arith.muli %sub3A_1024, %mul3A_1025 : i32
      %jit3A_1027 = arith.constant 1 : i32
      %eq3A_1028 = arith.constant 0 : i32
      %eq3A_1029 = arith.cmpi eq, %jit3A_1027, %eq3A_1028 : i32
      %jit3A_1030 = arith.constant 1 : i32
      %select_n3A_1031 = arith.select %eq3A_1029, %jit3A_1030, %jit3A_1027 : i32
      %rem3A_1032 = arith.remsi %sub3A_980, %select_n3A_1031 : i32
      %ne3A_1033 = arith.constant 0 : i32
      %ne3A_1034 = arith.cmpi ne, %rem3A_1032, %ne3A_1033 : i32
      %lt3A_1035 = arith.constant 0 : i32
      %lt3A_1036 = arith.cmpi slt, %rem3A_1032, %lt3A_1035 : i32
      %lt3A_1037 = arith.constant 0 : i32
      %lt3A_1038 = arith.cmpi slt, %select_n3A_1031, %lt3A_1037 : i32
      %ne3A_1039 = arith.xori %lt3A_1036, %lt3A_1038 : i1
      %and3A_1040 = arith.andi %ne3A_1039, %ne3A_1034 : i1
      %add3A_1041 = arith.addi %rem3A_1032, %select_n3A_1031 : i32
      %select_n3A_1042 = arith.select %and3A_1040, %add3A_1041, %rem3A_1032 : i32
      %mul3A_1043 = arith.constant 32 : i32
      %mul3A_1044 = arith.muli %select_n3A_1042, %mul3A_1043 : i32
      %add3A_1045 = arith.addi %mul3A_1044, %add3A : i32
      %mul3A_1046 = arith.constant 128 : i32
      %mul3A_1047 = arith.muli %add3A_1045, %mul3A_1046 : i32
      %add3A_1048 = arith.addi %mul3A_1026, %mul3A_1047 : i32
      %dma_wait3A_1049 = arith.constant 0 : i32
      %dma_wait3A_1050 = tpu.memref_slice %arg4[%add3A_1048, %dma_wait3A_1049] : memref<204800x128xf32, #tpu.memory_space<hbm>> -> memref<128x128xf32, #tpu.memory_space<hbm>>
      %dma_wait3A_1051 = arith.constant 0 : i32
      %dma_wait3A_1052 = tpu.memref_slice %arg4[%add3A_1048, %dma_wait3A_1051] : memref<204800x128xf32, #tpu.memory_space<hbm>> -> memref<128x128xf32, #tpu.memory_space<hbm>>
      tpu.wait_dma2 semaphore(%arg16 : memref<!tpu.dma_semaphore, #tpu.memory_space<semaphore_mem>>) src(%arg6 : memref<128x128xf32, #tpu.memory_space<vmem>>) dst(%dma_wait3A_1052 : memref<128x128xf32, #tpu.memory_space<hbm>>)
      %add3A_1053 = arith.constant 3 : i32
      %add3A_1054 = arith.addi %add3A_858, %add3A_1053 : i32
      %jit3A_1055 = arith.constant 1 : i32
      %div3A_1056 = arith.divsi %add3A_1054, %jit3A_1055 : i32
      %sign3A_1057 = arith.constant 0 : i32
      %sign3A_1058 = arith.cmpi sgt, %add3A_1054, %sign3A_1057 : i32
      %sign3A_1059 = arith.extui %sign3A_1058 : i1 to i32
      %sign3A_1060 = arith.constant 0 : i32
      %sign3A_1061 = arith.cmpi slt, %add3A_1054, %sign3A_1060 : i32
      %sign3A_1062 = arith.extui %sign3A_1061 : i1 to i32
      %sign3A_1063 = arith.subi %sign3A_1059, %sign3A_1062 : i32
      %sign3A_1064 = arith.constant 0 : i32
      %sign3A_1065 = arith.cmpi sgt, %jit3A_1055, %sign3A_1064 : i32
      %sign3A_1066 = arith.extui %sign3A_1065 : i1 to i32
      %sign3A_1067 = arith.constant 0 : i32
      %sign3A_1068 = arith.cmpi slt, %jit3A_1055, %sign3A_1067 : i32
      %sign3A_1069 = arith.extui %sign3A_1068 : i1 to i32
      %sign3A_1070 = arith.subi %sign3A_1066, %sign3A_1069 : i32
      %ne3A_1071 = arith.cmpi ne, %sign3A_1063, %sign3A_1070 : i32
      %rem3A_1072 = arith.remsi %add3A_1054, %jit3A_1055 : i32
      %ne3A_1073 = arith.constant 0 : i32
      %ne3A_1074 = arith.cmpi ne, %rem3A_1072, %ne3A_1073 : i32
      %and3A_1075 = arith.andi %ne3A_1071, %ne3A_1074 : i1
      %sub3A_1076 = arith.constant 1 : i32
      %sub3A_1077 = arith.subi %div3A_1056, %sub3A_1076 : i32
      %select_n3A_1078 = arith.select %and3A_1075, %sub3A_1077, %div3A_1056 : i32
      %add3A_1079 = arith.constant 0 : i32
      %add3A_1080 = arith.addi %add3A_1079, %select_n3A_1078 : i32
      %jit3A_1081 = arith.constant 1 : i32
      %eq3A_1082 = arith.constant 0 : i32
      %eq3A_1083 = arith.cmpi eq, %jit3A_1081, %eq3A_1082 : i32
      %jit3A_1084 = arith.constant 1 : i32
      %select_n3A_1085 = arith.select %eq3A_1083, %jit3A_1084, %jit3A_1081 : i32
      %rem3A_1086 = arith.remsi %add3A_1054, %select_n3A_1085 : i32
      %ne3A_1087 = arith.constant 0 : i32
      %ne3A_1088 = arith.cmpi ne, %rem3A_1086, %ne3A_1087 : i32
      %lt3A_1089 = arith.constant 0 : i32
      %lt3A_1090 = arith.cmpi slt, %rem3A_1086, %lt3A_1089 : i32
      %lt3A_1091 = arith.constant 0 : i32
      %lt3A_1092 = arith.cmpi slt, %select_n3A_1085, %lt3A_1091 : i32
      %ne3A_1093 = arith.xori %lt3A_1090, %lt3A_1092 : i1
      %and3A_1094 = arith.andi %ne3A_1093, %ne3A_1088 : i1
      %add3A_1095 = arith.addi %rem3A_1086, %select_n3A_1085 : i32
      %select_n3A_1096 = arith.select %and3A_1094, %add3A_1095, %rem3A_1086 : i32
      %dma_start3A_1097 = arith.constant 0 : i32
      %dma_start3A_1098 = tpu.memref_slice %arg5[%select_n3A_1096, %add3A_1080, %dma_start3A_1097] : memref<1x50x128xi32, #tpu.memory_space<vmem>> -> memref<1x1x128xi32, #tpu.memory_space<vmem>>
      %dma_start3A_1099 = tpu.memref_squeeze %dma_start3A_1098 : memref<1x1x128xi32, #tpu.memory_space<vmem>> -> memref<128xi32, #tpu.memory_space<vmem>>
      %dma_start3A_1100 = arith.constant 0 : i32
      %dma_start3A_1101 = arith.constant 0 : i32
      %dma_start3A_1102 = tpu.memref_slice %arg2[%dma_start3A_1100, %dma_start3A_1101] : memref<100002x128xf32, #tpu.memory_space<hbm>> -> memref<100002x128xf32, #tpu.memory_space<hbm>>
      tpu.enqueue_indirect_dma source(%dma_start3A_1102 : memref<100002x128xf32, #tpu.memory_space<hbm>>) target(%arg6 : memref<128x128xf32, #tpu.memory_space<vmem>>) offsets(%dma_start3A_1099 : memref<128xi32, #tpu.memory_space<vmem>>) semaphore(%arg11 : memref<!tpu.dma_semaphore, #tpu.memory_space<semaphore_mem>>)
      %mul3A_1103 = arith.constant 5 : i32
      %mul3A_1104 = arith.muli %mul3A_1103, %scan3A_368 : i32
      %add3A_1105 = arith.constant 3 : i32
      %add3A_1106 = arith.addi %mul3A_1104, %add3A_1105 : i32
      %jit3A_1107 = arith.constant 1 : i32
      %div3A_1108 = arith.divsi %add3A_1106, %jit3A_1107 : i32
      %sign3A_1109 = arith.constant 0 : i32
      %sign3A_1110 = arith.cmpi sgt, %add3A_1106, %sign3A_1109 : i32
      %sign3A_1111 = arith.extui %sign3A_1110 : i1 to i32
      %sign3A_1112 = arith.constant 0 : i32
      %sign3A_1113 = arith.cmpi slt, %add3A_1106, %sign3A_1112 : i32
      %sign3A_1114 = arith.extui %sign3A_1113 : i1 to i32
      %sign3A_1115 = arith.subi %sign3A_1111, %sign3A_1114 : i32
      %sign3A_1116 = arith.constant 0 : i32
      %sign3A_1117 = arith.cmpi sgt, %jit3A_1107, %sign3A_1116 : i32
      %sign3A_1118 = arith.extui %sign3A_1117 : i1 to i32
      %sign3A_1119 = arith.constant 0 : i32
      %sign3A_1120 = arith.cmpi slt, %jit3A_1107, %sign3A_1119 : i32
      %sign3A_1121 = arith.extui %sign3A_1120 : i1 to i32
      %sign3A_1122 = arith.subi %sign3A_1118, %sign3A_1121 : i32
      %ne3A_1123 = arith.cmpi ne, %sign3A_1115, %sign3A_1122 : i32
      %rem3A_1124 = arith.remsi %add3A_1106, %jit3A_1107 : i32
      %ne3A_1125 = arith.constant 0 : i32
      %ne3A_1126 = arith.cmpi ne, %rem3A_1124, %ne3A_1125 : i32
      %and3A_1127 = arith.andi %ne3A_1123, %ne3A_1126 : i1
      %sub3A_1128 = arith.constant 1 : i32
      %sub3A_1129 = arith.subi %div3A_1108, %sub3A_1128 : i32
      %select_n3A_1130 = arith.select %and3A_1127, %sub3A_1129, %div3A_1108 : i32
      %add3A_1131 = arith.constant 0 : i32
      %add3A_1132 = arith.addi %add3A_1131, %select_n3A_1130 : i32
      %jit3A_1133 = arith.constant 1 : i32
      %eq3A_1134 = arith.constant 0 : i32
      %eq3A_1135 = arith.cmpi eq, %jit3A_1133, %eq3A_1134 : i32
      %jit3A_1136 = arith.constant 1 : i32
      %select_n3A_1137 = arith.select %eq3A_1135, %jit3A_1136, %jit3A_1133 : i32
      %rem3A_1138 = arith.remsi %add3A_1106, %select_n3A_1137 : i32
      %ne3A_1139 = arith.constant 0 : i32
      %ne3A_1140 = arith.cmpi ne, %rem3A_1138, %ne3A_1139 : i32
      %lt3A_1141 = arith.constant 0 : i32
      %lt3A_1142 = arith.cmpi slt, %rem3A_1138, %lt3A_1141 : i32
      %lt3A_1143 = arith.constant 0 : i32
      %lt3A_1144 = arith.cmpi slt, %select_n3A_1137, %lt3A_1143 : i32
      %ne3A_1145 = arith.xori %lt3A_1142, %lt3A_1144 : i1
      %and3A_1146 = arith.andi %ne3A_1145, %ne3A_1140 : i1
      %add3A_1147 = arith.addi %rem3A_1138, %select_n3A_1137 : i32
      %select_n3A_1148 = arith.select %and3A_1146, %add3A_1147, %rem3A_1138 : i32
      %dma_wait3A_1149 = arith.constant 0 : i32
      %dma_wait3A_1150 = tpu.memref_slice %arg5[%select_n3A_1148, %add3A_1132, %dma_wait3A_1149] : memref<1x50x128xi32, #tpu.memory_space<vmem>> -> memref<1x1x128xi32, #tpu.memory_space<vmem>>
      %dma_wait3A_1151 = tpu.memref_squeeze %dma_wait3A_1150 : memref<1x1x128xi32, #tpu.memory_space<vmem>> -> memref<128xi32, #tpu.memory_space<vmem>>
      %dma_wait3A_1152 = arith.constant 0 : i32
      %dma_wait3A_1153 = arith.constant 0 : i32
      %dma_wait3A_1154 = tpu.memref_slice %arg2[%dma_wait3A_1152, %dma_wait3A_1153] : memref<100002x128xf32, #tpu.memory_space<hbm>> -> memref<100002x128xf32, #tpu.memory_space<hbm>>
      tpu.wait_indirect_dma semaphore(%arg14 : memref<!tpu.dma_semaphore, #tpu.memory_space<semaphore_mem>>) src(%dma_wait3A_1154 : memref<100002x128xf32, #tpu.memory_space<hbm>>) dst(%arg9 : memref<128x128xf32, #tpu.memory_space<vmem>>)
      %jit3A_1155 = arith.constant 1 : i32
      %div3A_1156 = arith.divsi %add3A_1106, %jit3A_1155 : i32
      %sign3A_1157 = arith.constant 0 : i32
      %sign3A_1158 = arith.cmpi sgt, %add3A_1106, %sign3A_1157 : i32
      %sign3A_1159 = arith.extui %sign3A_1158 : i1 to i32
      %sign3A_1160 = arith.constant 0 : i32
      %sign3A_1161 = arith.cmpi slt, %add3A_1106, %sign3A_1160 : i32
      %sign3A_1162 = arith.extui %sign3A_1161 : i1 to i32
      %sign3A_1163 = arith.subi %sign3A_1159, %sign3A_1162 : i32
      %sign3A_1164 = arith.constant 0 : i32
      %sign3A_1165 = arith.cmpi sgt, %jit3A_1155, %sign3A_1164 : i32
      %sign3A_1166 = arith.extui %sign3A_1165 : i1 to i32
      %sign3A_1167 = arith.constant 0 : i32
      %sign3A_1168 = arith.cmpi slt, %jit3A_1155, %sign3A_1167 : i32
      %sign3A_1169 = arith.extui %sign3A_1168 : i1 to i32
      %sign3A_1170 = arith.subi %sign3A_1166, %sign3A_1169 : i32
      %ne3A_1171 = arith.cmpi ne, %sign3A_1163, %sign3A_1170 : i32
      %rem3A_1172 = arith.remsi %add3A_1106, %jit3A_1155 : i32
      %ne3A_1173 = arith.constant 0 : i32
      %ne3A_1174 = arith.cmpi ne, %rem3A_1172, %ne3A_1173 : i32
      %and3A_1175 = arith.andi %ne3A_1171, %ne3A_1174 : i1
      %sub3A_1176 = arith.constant 1 : i32
      %sub3A_1177 = arith.subi %div3A_1156, %sub3A_1176 : i32
      %select_n3A_1178 = arith.select %and3A_1175, %sub3A_1177, %div3A_1156 : i32
      %add3A_1179 = arith.constant 0 : i32
      %add3A_1180 = arith.addi %add3A_1179, %select_n3A_1178 : i32
      %jit3A_1181 = arith.constant 1 : i32
      %eq3A_1182 = arith.constant 0 : i32
      %eq3A_1183 = arith.cmpi eq, %jit3A_1181, %eq3A_1182 : i32
      %jit3A_1184 = arith.constant 1 : i32
      %select_n3A_1185 = arith.select %eq3A_1183, %jit3A_1184, %jit3A_1181 : i32
      %rem3A_1186 = arith.remsi %add3A_1106, %select_n3A_1185 : i32
      %ne3A_1187 = arith.constant 0 : i32
      %ne3A_1188 = arith.cmpi ne, %rem3A_1186, %ne3A_1187 : i32
      %lt3A_1189 = arith.constant 0 : i32
      %lt3A_1190 = arith.cmpi slt, %rem3A_1186, %lt3A_1189 : i32
      %lt3A_1191 = arith.constant 0 : i32
      %lt3A_1192 = arith.cmpi slt, %select_n3A_1185, %lt3A_1191 : i32
      %ne3A_1193 = arith.xori %lt3A_1190, %lt3A_1192 : i1
      %and3A_1194 = arith.andi %ne3A_1193, %ne3A_1188 : i1
      %add3A_1195 = arith.addi %rem3A_1186, %select_n3A_1185 : i32
      %select_n3A_1196 = arith.select %and3A_1194, %add3A_1195, %rem3A_1186 : i32
      %sub3A_1197 = arith.constant 0 : i32
      %sub3A_1198 = arith.subi %add3A_1180, %sub3A_1197 : i32
      %mul3A_1199 = arith.constant 4096 : i32
      %mul3A_1200 = arith.muli %sub3A_1198, %mul3A_1199 : i32
      %jit3A_1201 = arith.constant 1 : i32
      %eq3A_1202 = arith.constant 0 : i32
      %eq3A_1203 = arith.cmpi eq, %jit3A_1201, %eq3A_1202 : i32
      %jit3A_1204 = arith.constant 1 : i32
      %select_n3A_1205 = arith.select %eq3A_1203, %jit3A_1204, %jit3A_1201 : i32
      %rem3A_1206 = arith.remsi %add3A_1106, %select_n3A_1205 : i32
      %ne3A_1207 = arith.constant 0 : i32
      %ne3A_1208 = arith.cmpi ne, %rem3A_1206, %ne3A_1207 : i32
      %lt3A_1209 = arith.constant 0 : i32
      %lt3A_1210 = arith.cmpi slt, %rem3A_1206, %lt3A_1209 : i32
      %lt3A_1211 = arith.constant 0 : i32
      %lt3A_1212 = arith.cmpi slt, %select_n3A_1205, %lt3A_1211 : i32
      %ne3A_1213 = arith.xori %lt3A_1210, %lt3A_1212 : i1
      %and3A_1214 = arith.andi %ne3A_1213, %ne3A_1208 : i1
      %add3A_1215 = arith.addi %rem3A_1206, %select_n3A_1205 : i32
      %select_n3A_1216 = arith.select %and3A_1214, %add3A_1215, %rem3A_1206 : i32
      %mul3A_1217 = arith.constant 32 : i32
      %mul3A_1218 = arith.muli %select_n3A_1216, %mul3A_1217 : i32
      %add3A_1219 = arith.addi %mul3A_1218, %add3A : i32
      %mul3A_1220 = arith.constant 128 : i32
      %mul3A_1221 = arith.muli %add3A_1219, %mul3A_1220 : i32
      %add3A_1222 = arith.addi %mul3A_1200, %mul3A_1221 : i32
      %dma_start3A_1223 = arith.constant 0 : i32
      %dma_start3A_1224 = tpu.memref_slice %arg4[%add3A_1222, %dma_start3A_1223] : memref<204800x128xf32, #tpu.memory_space<hbm>> -> memref<128x128xf32, #tpu.memory_space<hbm>>
      %dma_start3A_1225 = arith.constant 0 : i32
      %dma_start3A_1226 = tpu.memref_slice %arg4[%add3A_1222, %dma_start3A_1225] : memref<204800x128xf32, #tpu.memory_space<hbm>> -> memref<128x128xf32, #tpu.memory_space<hbm>>
      tpu.enqueue_dma source(%arg9 : memref<128x128xf32, #tpu.memory_space<vmem>>) target(%dma_start3A_1226 : memref<128x128xf32, #tpu.memory_space<hbm>>) target_semaphore(%arg19 : memref<!tpu.dma_semaphore, #tpu.memory_space<semaphore_mem>>)
      %sub3A_1227 = arith.constant 2 : i32
      %sub3A_1228 = arith.subi %add3A_1106, %sub3A_1227 : i32
      %jit3A_1229 = arith.constant 1 : i32
      %div3A_1230 = arith.divsi %sub3A_1228, %jit3A_1229 : i32
      %sign3A_1231 = arith.constant 0 : i32
      %sign3A_1232 = arith.cmpi sgt, %sub3A_1228, %sign3A_1231 : i32
      %sign3A_1233 = arith.extui %sign3A_1232 : i1 to i32
      %sign3A_1234 = arith.constant 0 : i32
      %sign3A_1235 = arith.cmpi slt, %sub3A_1228, %sign3A_1234 : i32
      %sign3A_1236 = arith.extui %sign3A_1235 : i1 to i32
      %sign3A_1237 = arith.subi %sign3A_1233, %sign3A_1236 : i32
      %sign3A_1238 = arith.constant 0 : i32
      %sign3A_1239 = arith.cmpi sgt, %jit3A_1229, %sign3A_1238 : i32
      %sign3A_1240 = arith.extui %sign3A_1239 : i1 to i32
      %sign3A_1241 = arith.constant 0 : i32
      %sign3A_1242 = arith.cmpi slt, %jit3A_1229, %sign3A_1241 : i32
      %sign3A_1243 = arith.extui %sign3A_1242 : i1 to i32
      %sign3A_1244 = arith.subi %sign3A_1240, %sign3A_1243 : i32
      %ne3A_1245 = arith.cmpi ne, %sign3A_1237, %sign3A_1244 : i32
      %rem3A_1246 = arith.remsi %sub3A_1228, %jit3A_1229 : i32
      %ne3A_1247 = arith.constant 0 : i32
      %ne3A_1248 = arith.cmpi ne, %rem3A_1246, %ne3A_1247 : i32
      %and3A_1249 = arith.andi %ne3A_1245, %ne3A_1248 : i1
      %sub3A_1250 = arith.constant 1 : i32
      %sub3A_1251 = arith.subi %div3A_1230, %sub3A_1250 : i32
      %select_n3A_1252 = arith.select %and3A_1249, %sub3A_1251, %div3A_1230 : i32
      %add3A_1253 = arith.constant 0 : i32
      %add3A_1254 = arith.addi %add3A_1253, %select_n3A_1252 : i32
      %jit3A_1255 = arith.constant 1 : i32
      %eq3A_1256 = arith.constant 0 : i32
      %eq3A_1257 = arith.cmpi eq, %jit3A_1255, %eq3A_1256 : i32
      %jit3A_1258 = arith.constant 1 : i32
      %select_n3A_1259 = arith.select %eq3A_1257, %jit3A_1258, %jit3A_1255 : i32
      %rem3A_1260 = arith.remsi %sub3A_1228, %select_n3A_1259 : i32
      %ne3A_1261 = arith.constant 0 : i32
      %ne3A_1262 = arith.cmpi ne, %rem3A_1260, %ne3A_1261 : i32
      %lt3A_1263 = arith.constant 0 : i32
      %lt3A_1264 = arith.cmpi slt, %rem3A_1260, %lt3A_1263 : i32
      %lt3A_1265 = arith.constant 0 : i32
      %lt3A_1266 = arith.cmpi slt, %select_n3A_1259, %lt3A_1265 : i32
      %ne3A_1267 = arith.xori %lt3A_1264, %lt3A_1266 : i1
      %and3A_1268 = arith.andi %ne3A_1267, %ne3A_1262 : i1
      %add3A_1269 = arith.addi %rem3A_1260, %select_n3A_1259 : i32
      %select_n3A_1270 = arith.select %and3A_1268, %add3A_1269, %rem3A_1260 : i32
      %sub3A_1271 = arith.constant 0 : i32
      %sub3A_1272 = arith.subi %add3A_1254, %sub3A_1271 : i32
      %mul3A_1273 = arith.constant 4096 : i32
      %mul3A_1274 = arith.muli %sub3A_1272, %mul3A_1273 : i32
      %jit3A_1275 = arith.constant 1 : i32
      %eq3A_1276 = arith.constant 0 : i32
      %eq3A_1277 = arith.cmpi eq, %jit3A_1275, %eq3A_1276 : i32
      %jit3A_1278 = arith.constant 1 : i32
      %select_n3A_1279 = arith.select %eq3A_1277, %jit3A_1278, %jit3A_1275 : i32
      %rem3A_1280 = arith.remsi %sub3A_1228, %select_n3A_1279 : i32
      %ne3A_1281 = arith.constant 0 : i32
      %ne3A_1282 = arith.cmpi ne, %rem3A_1280, %ne3A_1281 : i32
      %lt3A_1283 = arith.constant 0 : i32
      %lt3A_1284 = arith.cmpi slt, %rem3A_1280, %lt3A_1283 : i32
      %lt3A_1285 = arith.constant 0 : i32
      %lt3A_1286 = arith.cmpi slt, %select_n3A_1279, %lt3A_1285 : i32
      %ne3A_1287 = arith.xori %lt3A_1284, %lt3A_1286 : i1
      %and3A_1288 = arith.andi %ne3A_1287, %ne3A_1282 : i1
      %add3A_1289 = arith.addi %rem3A_1280, %select_n3A_1279 : i32
      %select_n3A_1290 = arith.select %and3A_1288, %add3A_1289, %rem3A_1280 : i32
      %mul3A_1291 = arith.constant 32 : i32
      %mul3A_1292 = arith.muli %select_n3A_1290, %mul3A_1291 : i32
      %add3A_1293 = arith.addi %mul3A_1292, %add3A : i32
      %mul3A_1294 = arith.constant 128 : i32
      %mul3A_1295 = arith.muli %add3A_1293, %mul3A_1294 : i32
      %add3A_1296 = arith.addi %mul3A_1274, %mul3A_1295 : i32
      %dma_wait3A_1297 = arith.constant 0 : i32
      %dma_wait3A_1298 = tpu.memref_slice %arg4[%add3A_1296, %dma_wait3A_1297] : memref<204800x128xf32, #tpu.memory_space<hbm>> -> memref<128x128xf32, #tpu.memory_space<hbm>>
      %dma_wait3A_1299 = arith.constant 0 : i32
      %dma_wait3A_1300 = tpu.memref_slice %arg4[%add3A_1296, %dma_wait3A_1299] : memref<204800x128xf32, #tpu.memory_space<hbm>> -> memref<128x128xf32, #tpu.memory_space<hbm>>
      tpu.wait_dma2 semaphore(%arg17 : memref<!tpu.dma_semaphore, #tpu.memory_space<semaphore_mem>>) src(%arg7 : memref<128x128xf32, #tpu.memory_space<vmem>>) dst(%dma_wait3A_1300 : memref<128x128xf32, #tpu.memory_space<hbm>>)
      %add3A_1301 = arith.constant 3 : i32
      %add3A_1302 = arith.addi %add3A_1106, %add3A_1301 : i32
      %jit3A_1303 = arith.constant 1 : i32
      %div3A_1304 = arith.divsi %add3A_1302, %jit3A_1303 : i32
      %sign3A_1305 = arith.constant 0 : i32
      %sign3A_1306 = arith.cmpi sgt, %add3A_1302, %sign3A_1305 : i32
      %sign3A_1307 = arith.extui %sign3A_1306 : i1 to i32
      %sign3A_1308 = arith.constant 0 : i32
      %sign3A_1309 = arith.cmpi slt, %add3A_1302, %sign3A_1308 : i32
      %sign3A_1310 = arith.extui %sign3A_1309 : i1 to i32
      %sign3A_1311 = arith.subi %sign3A_1307, %sign3A_1310 : i32
      %sign3A_1312 = arith.constant 0 : i32
      %sign3A_1313 = arith.cmpi sgt, %jit3A_1303, %sign3A_1312 : i32
      %sign3A_1314 = arith.extui %sign3A_1313 : i1 to i32
      %sign3A_1315 = arith.constant 0 : i32
      %sign3A_1316 = arith.cmpi slt, %jit3A_1303, %sign3A_1315 : i32
      %sign3A_1317 = arith.extui %sign3A_1316 : i1 to i32
      %sign3A_1318 = arith.subi %sign3A_1314, %sign3A_1317 : i32
      %ne3A_1319 = arith.cmpi ne, %sign3A_1311, %sign3A_1318 : i32
      %rem3A_1320 = arith.remsi %add3A_1302, %jit3A_1303 : i32
      %ne3A_1321 = arith.constant 0 : i32
      %ne3A_1322 = arith.cmpi ne, %rem3A_1320, %ne3A_1321 : i32
      %and3A_1323 = arith.andi %ne3A_1319, %ne3A_1322 : i1
      %sub3A_1324 = arith.constant 1 : i32
      %sub3A_1325 = arith.subi %div3A_1304, %sub3A_1324 : i32
      %select_n3A_1326 = arith.select %and3A_1323, %sub3A_1325, %div3A_1304 : i32
      %add3A_1327 = arith.constant 0 : i32
      %add3A_1328 = arith.addi %add3A_1327, %select_n3A_1326 : i32
      %jit3A_1329 = arith.constant 1 : i32
      %eq3A_1330 = arith.constant 0 : i32
      %eq3A_1331 = arith.cmpi eq, %jit3A_1329, %eq3A_1330 : i32
      %jit3A_1332 = arith.constant 1 : i32
      %select_n3A_1333 = arith.select %eq3A_1331, %jit3A_1332, %jit3A_1329 : i32
      %rem3A_1334 = arith.remsi %add3A_1302, %select_n3A_1333 : i32
      %ne3A_1335 = arith.constant 0 : i32
      %ne3A_1336 = arith.cmpi ne, %rem3A_1334, %ne3A_1335 : i32
      %lt3A_1337 = arith.constant 0 : i32
      %lt3A_1338 = arith.cmpi slt, %rem3A_1334, %lt3A_1337 : i32
      %lt3A_1339 = arith.constant 0 : i32
      %lt3A_1340 = arith.cmpi slt, %select_n3A_1333, %lt3A_1339 : i32
      %ne3A_1341 = arith.xori %lt3A_1338, %lt3A_1340 : i1
      %and3A_1342 = arith.andi %ne3A_1341, %ne3A_1336 : i1
      %add3A_1343 = arith.addi %rem3A_1334, %select_n3A_1333 : i32
      %select_n3A_1344 = arith.select %and3A_1342, %add3A_1343, %rem3A_1334 : i32
      %dma_start3A_1345 = arith.constant 0 : i32
      %dma_start3A_1346 = tpu.memref_slice %arg5[%select_n3A_1344, %add3A_1328, %dma_start3A_1345] : memref<1x50x128xi32, #tpu.memory_space<vmem>> -> memref<1x1x128xi32, #tpu.memory_space<vmem>>
      %dma_start3A_1347 = tpu.memref_squeeze %dma_start3A_1346 : memref<1x1x128xi32, #tpu.memory_space<vmem>> -> memref<128xi32, #tpu.memory_space<vmem>>
      %dma_start3A_1348 = arith.constant 0 : i32
      %dma_start3A_1349 = arith.constant 0 : i32
      %dma_start3A_1350 = tpu.memref_slice %arg2[%dma_start3A_1348, %dma_start3A_1349] : memref<100002x128xf32, #tpu.memory_space<hbm>> -> memref<100002x128xf32, #tpu.memory_space<hbm>>
      tpu.enqueue_indirect_dma source(%dma_start3A_1350 : memref<100002x128xf32, #tpu.memory_space<hbm>>) target(%arg7 : memref<128x128xf32, #tpu.memory_space<vmem>>) offsets(%dma_start3A_1347 : memref<128xi32, #tpu.memory_space<vmem>>) semaphore(%arg12 : memref<!tpu.dma_semaphore, #tpu.memory_space<semaphore_mem>>)
      %mul3A_1351 = arith.constant 5 : i32
      %mul3A_1352 = arith.muli %mul3A_1351, %scan3A_368 : i32
      %add3A_1353 = arith.constant 4 : i32
      %add3A_1354 = arith.addi %mul3A_1352, %add3A_1353 : i32
      %jit3A_1355 = arith.constant 1 : i32
      %div3A_1356 = arith.divsi %add3A_1354, %jit3A_1355 : i32
      %sign3A_1357 = arith.constant 0 : i32
      %sign3A_1358 = arith.cmpi sgt, %add3A_1354, %sign3A_1357 : i32
      %sign3A_1359 = arith.extui %sign3A_1358 : i1 to i32
      %sign3A_1360 = arith.constant 0 : i32
      %sign3A_1361 = arith.cmpi slt, %add3A_1354, %sign3A_1360 : i32
      %sign3A_1362 = arith.extui %sign3A_1361 : i1 to i32
      %sign3A_1363 = arith.subi %sign3A_1359, %sign3A_1362 : i32
      %sign3A_1364 = arith.constant 0 : i32
      %sign3A_1365 = arith.cmpi sgt, %jit3A_1355, %sign3A_1364 : i32
      %sign3A_1366 = arith.extui %sign3A_1365 : i1 to i32
      %sign3A_1367 = arith.constant 0 : i32
      %sign3A_1368 = arith.cmpi slt, %jit3A_1355, %sign3A_1367 : i32
      %sign3A_1369 = arith.extui %sign3A_1368 : i1 to i32
      %sign3A_1370 = arith.subi %sign3A_1366, %sign3A_1369 : i32
      %ne3A_1371 = arith.cmpi ne, %sign3A_1363, %sign3A_1370 : i32
      %rem3A_1372 = arith.remsi %add3A_1354, %jit3A_1355 : i32
      %ne3A_1373 = arith.constant 0 : i32
      %ne3A_1374 = arith.cmpi ne, %rem3A_1372, %ne3A_1373 : i32
      %and3A_1375 = arith.andi %ne3A_1371, %ne3A_1374 : i1
      %sub3A_1376 = arith.constant 1 : i32
      %sub3A_1377 = arith.subi %div3A_1356, %sub3A_1376 : i32
      %select_n3A_1378 = arith.select %and3A_1375, %sub3A_1377, %div3A_1356 : i32
      %add3A_1379 = arith.constant 0 : i32
      %add3A_1380 = arith.addi %add3A_1379, %select_n3A_1378 : i32
      %jit3A_1381 = arith.constant 1 : i32
      %eq3A_1382 = arith.constant 0 : i32
      %eq3A_1383 = arith.cmpi eq, %jit3A_1381, %eq3A_1382 : i32
      %jit3A_1384 = arith.constant 1 : i32
      %select_n3A_1385 = arith.select %eq3A_1383, %jit3A_1384, %jit3A_1381 : i32
      %rem3A_1386 = arith.remsi %add3A_1354, %select_n3A_1385 : i32
      %ne3A_1387 = arith.constant 0 : i32
      %ne3A_1388 = arith.cmpi ne, %rem3A_1386, %ne3A_1387 : i32
      %lt3A_1389 = arith.constant 0 : i32
      %lt3A_1390 = arith.cmpi slt, %rem3A_1386, %lt3A_1389 : i32
      %lt3A_1391 = arith.constant 0 : i32
      %lt3A_1392 = arith.cmpi slt, %select_n3A_1385, %lt3A_1391 : i32
      %ne3A_1393 = arith.xori %lt3A_1390, %lt3A_1392 : i1
      %and3A_1394 = arith.andi %ne3A_1393, %ne3A_1388 : i1
      %add3A_1395 = arith.addi %rem3A_1386, %select_n3A_1385 : i32
      %select_n3A_1396 = arith.select %and3A_1394, %add3A_1395, %rem3A_1386 : i32
      %dma_wait3A_1397 = arith.constant 0 : i32
      %dma_wait3A_1398 = tpu.memref_slice %arg5[%select_n3A_1396, %add3A_1380, %dma_wait3A_1397] : memref<1x50x128xi32, #tpu.memory_space<vmem>> -> memref<1x1x128xi32, #tpu.memory_space<vmem>>
      %dma_wait3A_1399 = tpu.memref_squeeze %dma_wait3A_1398 : memref<1x1x128xi32, #tpu.memory_space<vmem>> -> memref<128xi32, #tpu.memory_space<vmem>>
      %dma_wait3A_1400 = arith.constant 0 : i32
      %dma_wait3A_1401 = arith.constant 0 : i32
      %dma_wait3A_1402 = tpu.memref_slice %arg2[%dma_wait3A_1400, %dma_wait3A_1401] : memref<100002x128xf32, #tpu.memory_space<hbm>> -> memref<100002x128xf32, #tpu.memory_space<hbm>>
      tpu.wait_indirect_dma semaphore(%arg15 : memref<!tpu.dma_semaphore, #tpu.memory_space<semaphore_mem>>) src(%dma_wait3A_1402 : memref<100002x128xf32, #tpu.memory_space<hbm>>) dst(%arg10 : memref<128x128xf32, #tpu.memory_space<vmem>>)
      %jit3A_1403 = arith.constant 1 : i32
      %div3A_1404 = arith.divsi %add3A_1354, %jit3A_1403 : i32
      %sign3A_1405 = arith.constant 0 : i32
      %sign3A_1406 = arith.cmpi sgt, %add3A_1354, %sign3A_1405 : i32
      %sign3A_1407 = arith.extui %sign3A_1406 : i1 to i32
      %sign3A_1408 = arith.constant 0 : i32
      %sign3A_1409 = arith.cmpi slt, %add3A_1354, %sign3A_1408 : i32
      %sign3A_1410 = arith.extui %sign3A_1409 : i1 to i32
      %sign3A_1411 = arith.subi %sign3A_1407, %sign3A_1410 : i32
      %sign3A_1412 = arith.constant 0 : i32
      %sign3A_1413 = arith.cmpi sgt, %jit3A_1403, %sign3A_1412 : i32
      %sign3A_1414 = arith.extui %sign3A_1413 : i1 to i32
      %sign3A_1415 = arith.constant 0 : i32
      %sign3A_1416 = arith.cmpi slt, %jit3A_1403, %sign3A_1415 : i32
      %sign3A_1417 = arith.extui %sign3A_1416 : i1 to i32
      %sign3A_1418 = arith.subi %sign3A_1414, %sign3A_1417 : i32
      %ne3A_1419 = arith.cmpi ne, %sign3A_1411, %sign3A_1418 : i32
      %rem3A_1420 = arith.remsi %add3A_1354, %jit3A_1403 : i32
      %ne3A_1421 = arith.constant 0 : i32
      %ne3A_1422 = arith.cmpi ne, %rem3A_1420, %ne3A_1421 : i32
      %and3A_1423 = arith.andi %ne3A_1419, %ne3A_1422 : i1
      %sub3A_1424 = arith.constant 1 : i32
      %sub3A_1425 = arith.subi %div3A_1404, %sub3A_1424 : i32
      %select_n3A_1426 = arith.select %and3A_1423, %sub3A_1425, %div3A_1404 : i32
      %add3A_1427 = arith.constant 0 : i32
      %add3A_1428 = arith.addi %add3A_1427, %select_n3A_1426 : i32
      %jit3A_1429 = arith.constant 1 : i32
      %eq3A_1430 = arith.constant 0 : i32
      %eq3A_1431 = arith.cmpi eq, %jit3A_1429, %eq3A_1430 : i32
      %jit3A_1432 = arith.constant 1 : i32
      %select_n3A_1433 = arith.select %eq3A_1431, %jit3A_1432, %jit3A_1429 : i32
      %rem3A_1434 = arith.remsi %add3A_1354, %select_n3A_1433 : i32
      %ne3A_1435 = arith.constant 0 : i32
      %ne3A_1436 = arith.cmpi ne, %rem3A_1434, %ne3A_1435 : i32
      %lt3A_1437 = arith.constant 0 : i32
      %lt3A_1438 = arith.cmpi slt, %rem3A_1434, %lt3A_1437 : i32
      %lt3A_1439 = arith.constant 0 : i32
      %lt3A_1440 = arith.cmpi slt, %select_n3A_1433, %lt3A_1439 : i32
      %ne3A_1441 = arith.xori %lt3A_1438, %lt3A_1440 : i1
      %and3A_1442 = arith.andi %ne3A_1441, %ne3A_1436 : i1
      %add3A_1443 = arith.addi %rem3A_1434, %select_n3A_1433 : i32
      %select_n3A_1444 = arith.select %and3A_1442, %add3A_1443, %rem3A_1434 : i32
      %sub3A_1445 = arith.constant 0 : i32
      %sub3A_1446 = arith.subi %add3A_1428, %sub3A_1445 : i32
      %mul3A_1447 = arith.constant 4096 : i32
      %mul3A_1448 = arith.muli %sub3A_1446, %mul3A_1447 : i32
      %jit3A_1449 = arith.constant 1 : i32
      %eq3A_1450 = arith.constant 0 : i32
      %eq3A_1451 = arith.cmpi eq, %jit3A_1449, %eq3A_1450 : i32
      %jit3A_1452 = arith.constant 1 : i32
      %select_n3A_1453 = arith.select %eq3A_1451, %jit3A_1452, %jit3A_1449 : i32
      %rem3A_1454 = arith.remsi %add3A_1354, %select_n3A_1453 : i32
      %ne3A_1455 = arith.constant 0 : i32
      %ne3A_1456 = arith.cmpi ne, %rem3A_1454, %ne3A_1455 : i32
      %lt3A_1457 = arith.constant 0 : i32
      %lt3A_1458 = arith.cmpi slt, %rem3A_1454, %lt3A_1457 : i32
      %lt3A_1459 = arith.constant 0 : i32
      %lt3A_1460 = arith.cmpi slt, %select_n3A_1453, %lt3A_1459 : i32
      %ne3A_1461 = arith.xori %lt3A_1458, %lt3A_1460 : i1
      %and3A_1462 = arith.andi %ne3A_1461, %ne3A_1456 : i1
      %add3A_1463 = arith.addi %rem3A_1454, %select_n3A_1453 : i32
      %select_n3A_1464 = arith.select %and3A_1462, %add3A_1463, %rem3A_1454 : i32
      %mul3A_1465 = arith.constant 32 : i32
      %mul3A_1466 = arith.muli %select_n3A_1464, %mul3A_1465 : i32
      %add3A_1467 = arith.addi %mul3A_1466, %add3A : i32
      %mul3A_1468 = arith.constant 128 : i32
      %mul3A_1469 = arith.muli %add3A_1467, %mul3A_1468 : i32
      %add3A_1470 = arith.addi %mul3A_1448, %mul3A_1469 : i32
      %dma_start3A_1471 = arith.constant 0 : i32
      %dma_start3A_1472 = tpu.memref_slice %arg4[%add3A_1470, %dma_start3A_1471] : memref<204800x128xf32, #tpu.memory_space<hbm>> -> memref<128x128xf32, #tpu.memory_space<hbm>>
      %dma_start3A_1473 = arith.constant 0 : i32
      %dma_start3A_1474 = tpu.memref_slice %arg4[%add3A_1470, %dma_start3A_1473] : memref<204800x128xf32, #tpu.memory_space<hbm>> -> memref<128x128xf32, #tpu.memory_space<hbm>>
      tpu.enqueue_dma source(%arg10 : memref<128x128xf32, #tpu.memory_space<vmem>>) target(%dma_start3A_1474 : memref<128x128xf32, #tpu.memory_space<hbm>>) target_semaphore(%arg20 : memref<!tpu.dma_semaphore, #tpu.memory_space<semaphore_mem>>)
      %sub3A_1475 = arith.constant 2 : i32
      %sub3A_1476 = arith.subi %add3A_1354, %sub3A_1475 : i32
      %jit3A_1477 = arith.constant 1 : i32
      %div3A_1478 = arith.divsi %sub3A_1476, %jit3A_1477 : i32
      %sign3A_1479 = arith.constant 0 : i32
      %sign3A_1480 = arith.cmpi sgt, %sub3A_1476, %sign3A_1479 : i32
      %sign3A_1481 = arith.extui %sign3A_1480 : i1 to i32
      %sign3A_1482 = arith.constant 0 : i32
      %sign3A_1483 = arith.cmpi slt, %sub3A_1476, %sign3A_1482 : i32
      %sign3A_1484 = arith.extui %sign3A_1483 : i1 to i32
      %sign3A_1485 = arith.subi %sign3A_1481, %sign3A_1484 : i32
      %sign3A_1486 = arith.constant 0 : i32
      %sign3A_1487 = arith.cmpi sgt, %jit3A_1477, %sign3A_1486 : i32
      %sign3A_1488 = arith.extui %sign3A_1487 : i1 to i32
      %sign3A_1489 = arith.constant 0 : i32
      %sign3A_1490 = arith.cmpi slt, %jit3A_1477, %sign3A_1489 : i32
      %sign3A_1491 = arith.extui %sign3A_1490 : i1 to i32
      %sign3A_1492 = arith.subi %sign3A_1488, %sign3A_1491 : i32
      %ne3A_1493 = arith.cmpi ne, %sign3A_1485, %sign3A_1492 : i32
      %rem3A_1494 = arith.remsi %sub3A_1476, %jit3A_1477 : i32
      %ne3A_1495 = arith.constant 0 : i32
      %ne3A_1496 = arith.cmpi ne, %rem3A_1494, %ne3A_1495 : i32
      %and3A_1497 = arith.andi %ne3A_1493, %ne3A_1496 : i1
      %sub3A_1498 = arith.constant 1 : i32
      %sub3A_1499 = arith.subi %div3A_1478, %sub3A_1498 : i32
      %select_n3A_1500 = arith.select %and3A_1497, %sub3A_1499, %div3A_1478 : i32
      %add3A_1501 = arith.constant 0 : i32
      %add3A_1502 = arith.addi %add3A_1501, %select_n3A_1500 : i32
      %jit3A_1503 = arith.constant 1 : i32
      %eq3A_1504 = arith.constant 0 : i32
      %eq3A_1505 = arith.cmpi eq, %jit3A_1503, %eq3A_1504 : i32
      %jit3A_1506 = arith.constant 1 : i32
      %select_n3A_1507 = arith.select %eq3A_1505, %jit3A_1506, %jit3A_1503 : i32
      %rem3A_1508 = arith.remsi %sub3A_1476, %select_n3A_1507 : i32
      %ne3A_1509 = arith.constant 0 : i32
      %ne3A_1510 = arith.cmpi ne, %rem3A_1508, %ne3A_1509 : i32
      %lt3A_1511 = arith.constant 0 : i32
      %lt3A_1512 = arith.cmpi slt, %rem3A_1508, %lt3A_1511 : i32
      %lt3A_1513 = arith.constant 0 : i32
      %lt3A_1514 = arith.cmpi slt, %select_n3A_1507, %lt3A_1513 : i32
      %ne3A_1515 = arith.xori %lt3A_1512, %lt3A_1514 : i1
      %and3A_1516 = arith.andi %ne3A_1515, %ne3A_1510 : i1
      %add3A_1517 = arith.addi %rem3A_1508, %select_n3A_1507 : i32
      %select_n3A_1518 = arith.select %and3A_1516, %add3A_1517, %rem3A_1508 : i32
      %sub3A_1519 = arith.constant 0 : i32
      %sub3A_1520 = arith.subi %add3A_1502, %sub3A_1519 : i32
      %mul3A_1521 = arith.constant 4096 : i32
      %mul3A_1522 = arith.muli %sub3A_1520, %mul3A_1521 : i32
      %jit3A_1523 = arith.constant 1 : i32
      %eq3A_1524 = arith.constant 0 : i32
      %eq3A_1525 = arith.cmpi eq, %jit3A_1523, %eq3A_1524 : i32
      %jit3A_1526 = arith.constant 1 : i32
      %select_n3A_1527 = arith.select %eq3A_1525, %jit3A_1526, %jit3A_1523 : i32
      %rem3A_1528 = arith.remsi %sub3A_1476, %select_n3A_1527 : i32
      %ne3A_1529 = arith.constant 0 : i32
      %ne3A_1530 = arith.cmpi ne, %rem3A_1528, %ne3A_1529 : i32
      %lt3A_1531 = arith.constant 0 : i32
      %lt3A_1532 = arith.cmpi slt, %rem3A_1528, %lt3A_1531 : i32
      %lt3A_1533 = arith.constant 0 : i32
      %lt3A_1534 = arith.cmpi slt, %select_n3A_1527, %lt3A_1533 : i32
      %ne3A_1535 = arith.xori %lt3A_1532, %lt3A_1534 : i1
      %and3A_1536 = arith.andi %ne3A_1535, %ne3A_1530 : i1
      %add3A_1537 = arith.addi %rem3A_1528, %select_n3A_1527 : i32
      %select_n3A_1538 = arith.select %and3A_1536, %add3A_1537, %rem3A_1528 : i32
      %mul3A_1539 = arith.constant 32 : i32
      %mul3A_1540 = arith.muli %select_n3A_1538, %mul3A_1539 : i32
      %add3A_1541 = arith.addi %mul3A_1540, %add3A : i32
      %mul3A_1542 = arith.constant 128 : i32
      %mul3A_1543 = arith.muli %add3A_1541, %mul3A_1542 : i32
      %add3A_1544 = arith.addi %mul3A_1522, %mul3A_1543 : i32
      %dma_wait3A_1545 = arith.constant 0 : i32
      %dma_wait3A_1546 = tpu.memref_slice %arg4[%add3A_1544, %dma_wait3A_1545] : memref<204800x128xf32, #tpu.memory_space<hbm>> -> memref<128x128xf32, #tpu.memory_space<hbm>>
      %dma_wait3A_1547 = arith.constant 0 : i32
      %dma_wait3A_1548 = tpu.memref_slice %arg4[%add3A_1544, %dma_wait3A_1547] : memref<204800x128xf32, #tpu.memory_space<hbm>> -> memref<128x128xf32, #tpu.memory_space<hbm>>
      tpu.wait_dma2 semaphore(%arg18 : memref<!tpu.dma_semaphore, #tpu.memory_space<semaphore_mem>>) src(%arg8 : memref<128x128xf32, #tpu.memory_space<vmem>>) dst(%dma_wait3A_1548 : memref<128x128xf32, #tpu.memory_space<hbm>>)
      %add3A_1549 = arith.constant 3 : i32
      %add3A_1550 = arith.addi %add3A_1354, %add3A_1549 : i32
      %jit3A_1551 = arith.constant 1 : i32
      %div3A_1552 = arith.divsi %add3A_1550, %jit3A_1551 : i32
      %sign3A_1553 = arith.constant 0 : i32
      %sign3A_1554 = arith.cmpi sgt, %add3A_1550, %sign3A_1553 : i32
      %sign3A_1555 = arith.extui %sign3A_1554 : i1 to i32
      %sign3A_1556 = arith.constant 0 : i32
      %sign3A_1557 = arith.cmpi slt, %add3A_1550, %sign3A_1556 : i32
      %sign3A_1558 = arith.extui %sign3A_1557 : i1 to i32
      %sign3A_1559 = arith.subi %sign3A_1555, %sign3A_1558 : i32
      %sign3A_1560 = arith.constant 0 : i32
      %sign3A_1561 = arith.cmpi sgt, %jit3A_1551, %sign3A_1560 : i32
      %sign3A_1562 = arith.extui %sign3A_1561 : i1 to i32
      %sign3A_1563 = arith.constant 0 : i32
      %sign3A_1564 = arith.cmpi slt, %jit3A_1551, %sign3A_1563 : i32
      %sign3A_1565 = arith.extui %sign3A_1564 : i1 to i32
      %sign3A_1566 = arith.subi %sign3A_1562, %sign3A_1565 : i32
      %ne3A_1567 = arith.cmpi ne, %sign3A_1559, %sign3A_1566 : i32
      %rem3A_1568 = arith.remsi %add3A_1550, %jit3A_1551 : i32
      %ne3A_1569 = arith.constant 0 : i32
      %ne3A_1570 = arith.cmpi ne, %rem3A_1568, %ne3A_1569 : i32
      %and3A_1571 = arith.andi %ne3A_1567, %ne3A_1570 : i1
      %sub3A_1572 = arith.constant 1 : i32
      %sub3A_1573 = arith.subi %div3A_1552, %sub3A_1572 : i32
      %select_n3A_1574 = arith.select %and3A_1571, %sub3A_1573, %div3A_1552 : i32
      %add3A_1575 = arith.constant 0 : i32
      %add3A_1576 = arith.addi %add3A_1575, %select_n3A_1574 : i32
      %jit3A_1577 = arith.constant 1 : i32
      %eq3A_1578 = arith.constant 0 : i32
      %eq3A_1579 = arith.cmpi eq, %jit3A_1577, %eq3A_1578 : i32
      %jit3A_1580 = arith.constant 1 : i32
      %select_n3A_1581 = arith.select %eq3A_1579, %jit3A_1580, %jit3A_1577 : i32
      %rem3A_1582 = arith.remsi %add3A_1550, %select_n3A_1581 : i32
      %ne3A_1583 = arith.constant 0 : i32
      %ne3A_1584 = arith.cmpi ne, %rem3A_1582, %ne3A_1583 : i32
      %lt3A_1585 = arith.constant 0 : i32
      %lt3A_1586 = arith.cmpi slt, %rem3A_1582, %lt3A_1585 : i32
      %lt3A_1587 = arith.constant 0 : i32
      %lt3A_1588 = arith.cmpi slt, %select_n3A_1581, %lt3A_1587 : i32
      %ne3A_1589 = arith.xori %lt3A_1586, %lt3A_1588 : i1
      %and3A_1590 = arith.andi %ne3A_1589, %ne3A_1584 : i1
      %add3A_1591 = arith.addi %rem3A_1582, %select_n3A_1581 : i32
      %select_n3A_1592 = arith.select %and3A_1590, %add3A_1591, %rem3A_1582 : i32
      %dma_start3A_1593 = arith.constant 0 : i32
      %dma_start3A_1594 = tpu.memref_slice %arg5[%select_n3A_1592, %add3A_1576, %dma_start3A_1593] : memref<1x50x128xi32, #tpu.memory_space<vmem>> -> memref<1x1x128xi32, #tpu.memory_space<vmem>>
      %dma_start3A_1595 = tpu.memref_squeeze %dma_start3A_1594 : memref<1x1x128xi32, #tpu.memory_space<vmem>> -> memref<128xi32, #tpu.memory_space<vmem>>
      %dma_start3A_1596 = arith.constant 0 : i32
      %dma_start3A_1597 = arith.constant 0 : i32
      %dma_start3A_1598 = tpu.memref_slice %arg2[%dma_start3A_1596, %dma_start3A_1597] : memref<100002x128xf32, #tpu.memory_space<hbm>> -> memref<100002x128xf32, #tpu.memory_space<hbm>>
      tpu.enqueue_indirect_dma source(%dma_start3A_1598 : memref<100002x128xf32, #tpu.memory_space<hbm>>) target(%arg8 : memref<128x128xf32, #tpu.memory_space<vmem>>) offsets(%dma_start3A_1595 : memref<128xi32, #tpu.memory_space<vmem>>) semaphore(%arg13 : memref<!tpu.dma_semaphore, #tpu.memory_space<semaphore_mem>>)
    }
    %scan3A_191 = arith.constant 8 : i32
    %dma_wait3A_192 = arith.constant 0 : i32
    %dma_wait3A_193 = arith.constant 45 : i32
    %dma_wait3A_194 = arith.constant 0 : i32
    %dma_wait3A_195 = tpu.memref_slice %arg5[%dma_wait3A_192, %dma_wait3A_193, %dma_wait3A_194] : memref<1x50x128xi32, #tpu.memory_space<vmem>> -> memref<1x1x128xi32, #tpu.memory_space<vmem>>
    %dma_wait3A_196 = tpu.memref_squeeze %dma_wait3A_195 : memref<1x1x128xi32, #tpu.memory_space<vmem>> -> memref<128xi32, #tpu.memory_space<vmem>>
    %dma_wait3A_197 = arith.constant 0 : i32
    %dma_wait3A_198 = arith.constant 0 : i32
    %dma_wait3A_199 = tpu.memref_slice %arg2[%dma_wait3A_197, %dma_wait3A_198] : memref<100002x128xf32, #tpu.memory_space<hbm>> -> memref<100002x128xf32, #tpu.memory_space<hbm>>
    tpu.wait_indirect_dma semaphore(%arg11 : memref<!tpu.dma_semaphore, #tpu.memory_space<semaphore_mem>>) src(%dma_wait3A_199 : memref<100002x128xf32, #tpu.memory_space<hbm>>) dst(%arg6 : memref<128x128xf32, #tpu.memory_space<vmem>>)
    %add3A_200 = arith.constant 0 : i32
    %add3A_201 = arith.addi %add3A_200, %add3A : i32
    %mul3A_202 = arith.constant 128 : i32
    %mul3A_203 = arith.muli %add3A_201, %mul3A_202 : i32
    %add3A_204 = arith.constant 184320 : i32
    %add3A_205 = arith.addi %add3A_204, %mul3A_203 : i32
    %dma_start3A_206 = arith.constant 0 : i32
    %dma_start3A_207 = tpu.memref_slice %arg4[%add3A_205, %dma_start3A_206] : memref<204800x128xf32, #tpu.memory_space<hbm>> -> memref<128x128xf32, #tpu.memory_space<hbm>>
    %dma_start3A_208 = arith.constant 0 : i32
    %dma_start3A_209 = tpu.memref_slice %arg4[%add3A_205, %dma_start3A_208] : memref<204800x128xf32, #tpu.memory_space<hbm>> -> memref<128x128xf32, #tpu.memory_space<hbm>>
    tpu.enqueue_dma source(%arg6 : memref<128x128xf32, #tpu.memory_space<vmem>>) target(%dma_start3A_209 : memref<128x128xf32, #tpu.memory_space<hbm>>) target_semaphore(%arg16 : memref<!tpu.dma_semaphore, #tpu.memory_space<semaphore_mem>>)
    %add3A_210 = arith.constant 0 : i32
    %add3A_211 = arith.addi %add3A_210, %add3A : i32
    %mul3A_212 = arith.constant 128 : i32
    %mul3A_213 = arith.muli %add3A_211, %mul3A_212 : i32
    %add3A_214 = arith.constant 176128 : i32
    %add3A_215 = arith.addi %add3A_214, %mul3A_213 : i32
    %dma_wait3A_216 = arith.constant 0 : i32
    %dma_wait3A_217 = tpu.memref_slice %arg4[%add3A_215, %dma_wait3A_216] : memref<204800x128xf32, #tpu.memory_space<hbm>> -> memref<128x128xf32, #tpu.memory_space<hbm>>
    %dma_wait3A_218 = arith.constant 0 : i32
    %dma_wait3A_219 = tpu.memref_slice %arg4[%add3A_215, %dma_wait3A_218] : memref<204800x128xf32, #tpu.memory_space<hbm>> -> memref<128x128xf32, #tpu.memory_space<hbm>>
    tpu.wait_dma2 semaphore(%arg19 : memref<!tpu.dma_semaphore, #tpu.memory_space<semaphore_mem>>) src(%arg9 : memref<128x128xf32, #tpu.memory_space<vmem>>) dst(%dma_wait3A_219 : memref<128x128xf32, #tpu.memory_space<hbm>>)
    %dma_start3A_220 = arith.constant 0 : i32
    %dma_start3A_221 = arith.constant 48 : i32
    %dma_start3A_222 = arith.constant 0 : i32
    %dma_start3A_223 = tpu.memref_slice %arg5[%dma_start3A_220, %dma_start3A_221, %dma_start3A_222] : memref<1x50x128xi32, #tpu.memory_space<vmem>> -> memref<1x1x128xi32, #tpu.memory_space<vmem>>
    %dma_start3A_224 = tpu.memref_squeeze %dma_start3A_223 : memref<1x1x128xi32, #tpu.memory_space<vmem>> -> memref<128xi32, #tpu.memory_space<vmem>>
    %dma_start3A_225 = arith.constant 0 : i32
    %dma_start3A_226 = arith.constant 0 : i32
    %dma_start3A_227 = tpu.memref_slice %arg2[%dma_start3A_225, %dma_start3A_226] : memref<100002x128xf32, #tpu.memory_space<hbm>> -> memref<100002x128xf32, #tpu.memory_space<hbm>>
    tpu.enqueue_indirect_dma source(%dma_start3A_227 : memref<100002x128xf32, #tpu.memory_space<hbm>>) target(%arg9 : memref<128x128xf32, #tpu.memory_space<vmem>>) offsets(%dma_start3A_224 : memref<128xi32, #tpu.memory_space<vmem>>) semaphore(%arg14 : memref<!tpu.dma_semaphore, #tpu.memory_space<semaphore_mem>>)
    %dma_wait3A_228 = arith.constant 0 : i32
    %dma_wait3A_229 = arith.constant 46 : i32
    %dma_wait3A_230 = arith.constant 0 : i32
    %dma_wait3A_231 = tpu.memref_slice %arg5[%dma_wait3A_228, %dma_wait3A_229, %dma_wait3A_230] : memref<1x50x128xi32, #tpu.memory_space<vmem>> -> memref<1x1x128xi32, #tpu.memory_space<vmem>>
    %dma_wait3A_232 = tpu.memref_squeeze %dma_wait3A_231 : memref<1x1x128xi32, #tpu.memory_space<vmem>> -> memref<128xi32, #tpu.memory_space<vmem>>
    %dma_wait3A_233 = arith.constant 0 : i32
    %dma_wait3A_234 = arith.constant 0 : i32
    %dma_wait3A_235 = tpu.memref_slice %arg2[%dma_wait3A_233, %dma_wait3A_234] : memref<100002x128xf32, #tpu.memory_space<hbm>> -> memref<100002x128xf32, #tpu.memory_space<hbm>>
    tpu.wait_indirect_dma semaphore(%arg12 : memref<!tpu.dma_semaphore, #tpu.memory_space<semaphore_mem>>) src(%dma_wait3A_235 : memref<100002x128xf32, #tpu.memory_space<hbm>>) dst(%arg7 : memref<128x128xf32, #tpu.memory_space<vmem>>)
    %add3A_236 = arith.constant 0 : i32
    %add3A_237 = arith.addi %add3A_236, %add3A : i32
    %mul3A_238 = arith.constant 128 : i32
    %mul3A_239 = arith.muli %add3A_237, %mul3A_238 : i32
    %add3A_240 = arith.constant 188416 : i32
    %add3A_241 = arith.addi %add3A_240, %mul3A_239 : i32
    %dma_start3A_242 = arith.constant 0 : i32
    %dma_start3A_243 = tpu.memref_slice %arg4[%add3A_241, %dma_start3A_242] : memref<204800x128xf32, #tpu.memory_space<hbm>> -> memref<128x128xf32, #tpu.memory_space<hbm>>
    %dma_start3A_244 = arith.constant 0 : i32
    %dma_start3A_245 = tpu.memref_slice %arg4[%add3A_241, %dma_start3A_244] : memref<204800x128xf32, #tpu.memory_space<hbm>> -> memref<128x128xf32, #tpu.memory_space<hbm>>
    tpu.enqueue_dma source(%arg7 : memref<128x128xf32, #tpu.memory_space<vmem>>) target(%dma_start3A_245 : memref<128x128xf32, #tpu.memory_space<hbm>>) target_semaphore(%arg17 : memref<!tpu.dma_semaphore, #tpu.memory_space<semaphore_mem>>)
    %add3A_246 = arith.constant 0 : i32
    %add3A_247 = arith.addi %add3A_246, %add3A : i32
    %mul3A_248 = arith.constant 128 : i32
    %mul3A_249 = arith.muli %add3A_247, %mul3A_248 : i32
    %add3A_250 = arith.constant 180224 : i32
    %add3A_251 = arith.addi %add3A_250, %mul3A_249 : i32
    %dma_wait3A_252 = arith.constant 0 : i32
    %dma_wait3A_253 = tpu.memref_slice %arg4[%add3A_251, %dma_wait3A_252] : memref<204800x128xf32, #tpu.memory_space<hbm>> -> memref<128x128xf32, #tpu.memory_space<hbm>>
    %dma_wait3A_254 = arith.constant 0 : i32
    %dma_wait3A_255 = tpu.memref_slice %arg4[%add3A_251, %dma_wait3A_254] : memref<204800x128xf32, #tpu.memory_space<hbm>> -> memref<128x128xf32, #tpu.memory_space<hbm>>
    tpu.wait_dma2 semaphore(%arg20 : memref<!tpu.dma_semaphore, #tpu.memory_space<semaphore_mem>>) src(%arg10 : memref<128x128xf32, #tpu.memory_space<vmem>>) dst(%dma_wait3A_255 : memref<128x128xf32, #tpu.memory_space<hbm>>)
    %dma_start3A_256 = arith.constant 0 : i32
    %dma_start3A_257 = arith.constant 49 : i32
    %dma_start3A_258 = arith.constant 0 : i32
    %dma_start3A_259 = tpu.memref_slice %arg5[%dma_start3A_256, %dma_start3A_257, %dma_start3A_258] : memref<1x50x128xi32, #tpu.memory_space<vmem>> -> memref<1x1x128xi32, #tpu.memory_space<vmem>>
    %dma_start3A_260 = tpu.memref_squeeze %dma_start3A_259 : memref<1x1x128xi32, #tpu.memory_space<vmem>> -> memref<128xi32, #tpu.memory_space<vmem>>
    %dma_start3A_261 = arith.constant 0 : i32
    %dma_start3A_262 = arith.constant 0 : i32
    %dma_start3A_263 = tpu.memref_slice %arg2[%dma_start3A_261, %dma_start3A_262] : memref<100002x128xf32, #tpu.memory_space<hbm>> -> memref<100002x128xf32, #tpu.memory_space<hbm>>
    tpu.enqueue_indirect_dma source(%dma_start3A_263 : memref<100002x128xf32, #tpu.memory_space<hbm>>) target(%arg10 : memref<128x128xf32, #tpu.memory_space<vmem>>) offsets(%dma_start3A_260 : memref<128xi32, #tpu.memory_space<vmem>>) semaphore(%arg15 : memref<!tpu.dma_semaphore, #tpu.memory_space<semaphore_mem>>)
    %dma_wait3A_264 = arith.constant 0 : i32
    %dma_wait3A_265 = arith.constant 47 : i32
    %dma_wait3A_266 = arith.constant 0 : i32
    %dma_wait3A_267 = tpu.memref_slice %arg5[%dma_wait3A_264, %dma_wait3A_265, %dma_wait3A_266] : memref<1x50x128xi32, #tpu.memory_space<vmem>> -> memref<1x1x128xi32, #tpu.memory_space<vmem>>
    %dma_wait3A_268 = tpu.memref_squeeze %dma_wait3A_267 : memref<1x1x128xi32, #tpu.memory_space<vmem>> -> memref<128xi32, #tpu.memory_space<vmem>>
    %dma_wait3A_269 = arith.constant 0 : i32
    %dma_wait3A_270 = arith.constant 0 : i32
    %dma_wait3A_271 = tpu.memref_slice %arg2[%dma_wait3A_269, %dma_wait3A_270] : memref<100002x128xf32, #tpu.memory_space<hbm>> -> memref<100002x128xf32, #tpu.memory_space<hbm>>
    tpu.wait_indirect_dma semaphore(%arg13 : memref<!tpu.dma_semaphore, #tpu.memory_space<semaphore_mem>>) src(%dma_wait3A_271 : memref<100002x128xf32, #tpu.memory_space<hbm>>) dst(%arg8 : memref<128x128xf32, #tpu.memory_space<vmem>>)
    %add3A_272 = arith.constant 0 : i32
    %add3A_273 = arith.addi %add3A_272, %add3A : i32
    %mul3A_274 = arith.constant 128 : i32
    %mul3A_275 = arith.muli %add3A_273, %mul3A_274 : i32
    %add3A_276 = arith.constant 192512 : i32
    %add3A_277 = arith.addi %add3A_276, %mul3A_275 : i32
    %dma_start3A_278 = arith.constant 0 : i32
    %dma_start3A_279 = tpu.memref_slice %arg4[%add3A_277, %dma_start3A_278] : memref<204800x128xf32, #tpu.memory_space<hbm>> -> memref<128x128xf32, #tpu.memory_space<hbm>>
    %dma_start3A_280 = arith.constant 0 : i32
    %dma_start3A_281 = tpu.memref_slice %arg4[%add3A_277, %dma_start3A_280] : memref<204800x128xf32, #tpu.memory_space<hbm>> -> memref<128x128xf32, #tpu.memory_space<hbm>>
    tpu.enqueue_dma source(%arg8 : memref<128x128xf32, #tpu.memory_space<vmem>>) target(%dma_start3A_281 : memref<128x128xf32, #tpu.memory_space<hbm>>) target_semaphore(%arg18 : memref<!tpu.dma_semaphore, #tpu.memory_space<semaphore_mem>>)
    %add3A_282 = arith.constant 0 : i32
    %add3A_283 = arith.addi %add3A_282, %add3A : i32
    %mul3A_284 = arith.constant 128 : i32
    %mul3A_285 = arith.muli %add3A_283, %mul3A_284 : i32
    %add3A_286 = arith.constant 184320 : i32
    %add3A_287 = arith.addi %add3A_286, %mul3A_285 : i32
    %dma_wait3A_288 = arith.constant 0 : i32
    %dma_wait3A_289 = tpu.memref_slice %arg4[%add3A_287, %dma_wait3A_288] : memref<204800x128xf32, #tpu.memory_space<hbm>> -> memref<128x128xf32, #tpu.memory_space<hbm>>
    %dma_wait3A_290 = arith.constant 0 : i32
    %dma_wait3A_291 = tpu.memref_slice %arg4[%add3A_287, %dma_wait3A_290] : memref<204800x128xf32, #tpu.memory_space<hbm>> -> memref<128x128xf32, #tpu.memory_space<hbm>>
    tpu.wait_dma2 semaphore(%arg16 : memref<!tpu.dma_semaphore, #tpu.memory_space<semaphore_mem>>) src(%arg6 : memref<128x128xf32, #tpu.memory_space<vmem>>) dst(%dma_wait3A_291 : memref<128x128xf32, #tpu.memory_space<hbm>>)
    %dma_wait3A_292 = arith.constant 0 : i32
    %dma_wait3A_293 = arith.constant 48 : i32
    %dma_wait3A_294 = arith.constant 0 : i32
    %dma_wait3A_295 = tpu.memref_slice %arg5[%dma_wait3A_292, %dma_wait3A_293, %dma_wait3A_294] : memref<1x50x128xi32, #tpu.memory_space<vmem>> -> memref<1x1x128xi32, #tpu.memory_space<vmem>>
    %dma_wait3A_296 = tpu.memref_squeeze %dma_wait3A_295 : memref<1x1x128xi32, #tpu.memory_space<vmem>> -> memref<128xi32, #tpu.memory_space<vmem>>
    %dma_wait3A_297 = arith.constant 0 : i32
    %dma_wait3A_298 = arith.constant 0 : i32
    %dma_wait3A_299 = tpu.memref_slice %arg2[%dma_wait3A_297, %dma_wait3A_298] : memref<100002x128xf32, #tpu.memory_space<hbm>> -> memref<100002x128xf32, #tpu.memory_space<hbm>>
    tpu.wait_indirect_dma semaphore(%arg14 : memref<!tpu.dma_semaphore, #tpu.memory_space<semaphore_mem>>) src(%dma_wait3A_299 : memref<100002x128xf32, #tpu.memory_space<hbm>>) dst(%arg9 : memref<128x128xf32, #tpu.memory_space<vmem>>)
    %add3A_300 = arith.constant 0 : i32
    %add3A_301 = arith.addi %add3A_300, %add3A : i32
    %mul3A_302 = arith.constant 128 : i32
    %mul3A_303 = arith.muli %add3A_301, %mul3A_302 : i32
    %add3A_304 = arith.constant 196608 : i32
    %add3A_305 = arith.addi %add3A_304, %mul3A_303 : i32
    %dma_start3A_306 = arith.constant 0 : i32
    %dma_start3A_307 = tpu.memref_slice %arg4[%add3A_305, %dma_start3A_306] : memref<204800x128xf32, #tpu.memory_space<hbm>> -> memref<128x128xf32, #tpu.memory_space<hbm>>
    %dma_start3A_308 = arith.constant 0 : i32
    %dma_start3A_309 = tpu.memref_slice %arg4[%add3A_305, %dma_start3A_308] : memref<204800x128xf32, #tpu.memory_space<hbm>> -> memref<128x128xf32, #tpu.memory_space<hbm>>
    tpu.enqueue_dma source(%arg9 : memref<128x128xf32, #tpu.memory_space<vmem>>) target(%dma_start3A_309 : memref<128x128xf32, #tpu.memory_space<hbm>>) target_semaphore(%arg19 : memref<!tpu.dma_semaphore, #tpu.memory_space<semaphore_mem>>)
    %add3A_310 = arith.constant 0 : i32
    %add3A_311 = arith.addi %add3A_310, %add3A : i32
    %mul3A_312 = arith.constant 128 : i32
    %mul3A_313 = arith.muli %add3A_311, %mul3A_312 : i32
    %add3A_314 = arith.constant 188416 : i32
    %add3A_315 = arith.addi %add3A_314, %mul3A_313 : i32
    %dma_wait3A_316 = arith.constant 0 : i32
    %dma_wait3A_317 = tpu.memref_slice %arg4[%add3A_315, %dma_wait3A_316] : memref<204800x128xf32, #tpu.memory_space<hbm>> -> memref<128x128xf32, #tpu.memory_space<hbm>>
    %dma_wait3A_318 = arith.constant 0 : i32
    %dma_wait3A_319 = tpu.memref_slice %arg4[%add3A_315, %dma_wait3A_318] : memref<204800x128xf32, #tpu.memory_space<hbm>> -> memref<128x128xf32, #tpu.memory_space<hbm>>
    tpu.wait_dma2 semaphore(%arg17 : memref<!tpu.dma_semaphore, #tpu.memory_space<semaphore_mem>>) src(%arg7 : memref<128x128xf32, #tpu.memory_space<vmem>>) dst(%dma_wait3A_319 : memref<128x128xf32, #tpu.memory_space<hbm>>)
    %dma_wait3A_320 = arith.constant 0 : i32
    %dma_wait3A_321 = arith.constant 49 : i32
    %dma_wait3A_322 = arith.constant 0 : i32
    %dma_wait3A_323 = tpu.memref_slice %arg5[%dma_wait3A_320, %dma_wait3A_321, %dma_wait3A_322] : memref<1x50x128xi32, #tpu.memory_space<vmem>> -> memref<1x1x128xi32, #tpu.memory_space<vmem>>
    %dma_wait3A_324 = tpu.memref_squeeze %dma_wait3A_323 : memref<1x1x128xi32, #tpu.memory_space<vmem>> -> memref<128xi32, #tpu.memory_space<vmem>>
    %dma_wait3A_325 = arith.constant 0 : i32
    %dma_wait3A_326 = arith.constant 0 : i32
    %dma_wait3A_327 = tpu.memref_slice %arg2[%dma_wait3A_325, %dma_wait3A_326] : memref<100002x128xf32, #tpu.memory_space<hbm>> -> memref<100002x128xf32, #tpu.memory_space<hbm>>
    tpu.wait_indirect_dma semaphore(%arg15 : memref<!tpu.dma_semaphore, #tpu.memory_space<semaphore_mem>>) src(%dma_wait3A_327 : memref<100002x128xf32, #tpu.memory_space<hbm>>) dst(%arg10 : memref<128x128xf32, #tpu.memory_space<vmem>>)
    %add3A_328 = arith.constant 0 : i32
    %add3A_329 = arith.addi %add3A_328, %add3A : i32
    %mul3A_330 = arith.constant 128 : i32
    %mul3A_331 = arith.muli %add3A_329, %mul3A_330 : i32
    %add3A_332 = arith.constant 200704 : i32
    %add3A_333 = arith.addi %add3A_332, %mul3A_331 : i32
    %dma_start3A_334 = arith.constant 0 : i32
    %dma_start3A_335 = tpu.memref_slice %arg4[%add3A_333, %dma_start3A_334] : memref<204800x128xf32, #tpu.memory_space<hbm>> -> memref<128x128xf32, #tpu.memory_space<hbm>>
    %dma_start3A_336 = arith.constant 0 : i32
    %dma_start3A_337 = tpu.memref_slice %arg4[%add3A_333, %dma_start3A_336] : memref<204800x128xf32, #tpu.memory_space<hbm>> -> memref<128x128xf32, #tpu.memory_space<hbm>>
    tpu.enqueue_dma source(%arg10 : memref<128x128xf32, #tpu.memory_space<vmem>>) target(%dma_start3A_337 : memref<128x128xf32, #tpu.memory_space<hbm>>) target_semaphore(%arg20 : memref<!tpu.dma_semaphore, #tpu.memory_space<semaphore_mem>>)
    %add3A_338 = arith.constant 0 : i32
    %add3A_339 = arith.addi %add3A_338, %add3A : i32
    %mul3A_340 = arith.constant 128 : i32
    %mul3A_341 = arith.muli %add3A_339, %mul3A_340 : i32
    %add3A_342 = arith.constant 192512 : i32
    %add3A_343 = arith.addi %add3A_342, %mul3A_341 : i32
    %dma_wait3A_344 = arith.constant 0 : i32
    %dma_wait3A_345 = tpu.memref_slice %arg4[%add3A_343, %dma_wait3A_344] : memref<204800x128xf32, #tpu.memory_space<hbm>> -> memref<128x128xf32, #tpu.memory_space<hbm>>
    %dma_wait3A_346 = arith.constant 0 : i32
    %dma_wait3A_347 = tpu.memref_slice %arg4[%add3A_343, %dma_wait3A_346] : memref<204800x128xf32, #tpu.memory_space<hbm>> -> memref<128x128xf32, #tpu.memory_space<hbm>>
    tpu.wait_dma2 semaphore(%arg18 : memref<!tpu.dma_semaphore, #tpu.memory_space<semaphore_mem>>) src(%arg8 : memref<128x128xf32, #tpu.memory_space<vmem>>) dst(%dma_wait3A_347 : memref<128x128xf32, #tpu.memory_space<hbm>>)
    %add3A_348 = arith.constant 0 : i32
    %add3A_349 = arith.addi %add3A_348, %add3A : i32
    %mul3A_350 = arith.constant 128 : i32
    %mul3A_351 = arith.muli %add3A_349, %mul3A_350 : i32
    %add3A_352 = arith.constant 196608 : i32
    %add3A_353 = arith.addi %add3A_352, %mul3A_351 : i32
    %dma_wait3A_354 = arith.constant 0 : i32
    %dma_wait3A_355 = tpu.memref_slice %arg4[%add3A_353, %dma_wait3A_354] : memref<204800x128xf32, #tpu.memory_space<hbm>> -> memref<128x128xf32, #tpu.memory_space<hbm>>
    %dma_wait3A_356 = arith.constant 0 : i32
    %dma_wait3A_357 = tpu.memref_slice %arg4[%add3A_353, %dma_wait3A_356] : memref<204800x128xf32, #tpu.memory_space<hbm>> -> memref<128x128xf32, #tpu.memory_space<hbm>>
    tpu.wait_dma2 semaphore(%arg19 : memref<!tpu.dma_semaphore, #tpu.memory_space<semaphore_mem>>) src(%arg9 : memref<128x128xf32, #tpu.memory_space<vmem>>) dst(%dma_wait3A_357 : memref<128x128xf32, #tpu.memory_space<hbm>>)
    %add3A_358 = arith.constant 0 : i32
    %add3A_359 = arith.addi %add3A_358, %add3A : i32
    %mul3A_360 = arith.constant 128 : i32
    %mul3A_361 = arith.muli %add3A_359, %mul3A_360 : i32
    %add3A_362 = arith.constant 200704 : i32
    %add3A_363 = arith.addi %add3A_362, %mul3A_361 : i32
    %dma_wait3A_364 = arith.constant 0 : i32
    %dma_wait3A_365 = tpu.memref_slice %arg4[%add3A_363, %dma_wait3A_364] : memref<204800x128xf32, #tpu.memory_space<hbm>> -> memref<128x128xf32, #tpu.memory_space<hbm>>
    %dma_wait3A_366 = arith.constant 0 : i32
    %dma_wait3A_367 = tpu.memref_slice %arg4[%add3A_363, %dma_wait3A_366] : memref<204800x128xf32, #tpu.memory_space<hbm>> -> memref<128x128xf32, #tpu.memory_space<hbm>>
    tpu.wait_dma2 semaphore(%arg20 : memref<!tpu.dma_semaphore, #tpu.memory_space<semaphore_mem>>) src(%arg10 : memref<128x128xf32, #tpu.memory_space<vmem>>) dst(%dma_wait3A_367 : memref<128x128xf32, #tpu.memory_space<hbm>>)
    return
  }
}

module attributes {stable_mosaic.version = 14 : i64} {
  func.func @_mm_body(%arg0: i32, %arg1: memref<10240x128xf32, #tpu.memory_space<vmem>>, %arg2: memref<128x256xf32, #tpu.memory_space<vmem>>, %arg3: memref<1x256xf32, #tpu.memory_space<vmem>>, %arg4: memref<10240x256xf32, #tpu.memory_space<vmem>>) attributes {dimension_semantics = [#tpu.dimension_semantics<arbitrary>], iteration_bounds = array<i64: 20>, scalar_prefetch = 0 : i64, scratch_operands = 0 : i64, tpu.core_type = #tpu.core_type<tc>, window_params = [{transform_indices = @transform_0, window_bounds = array<i64: 10240, 128>}, {pipeline_mode = #tpu.pipeline_mode<synchronous>, transform_indices = @transform_1, window_bounds = array<i64: 128, 256>}, {pipeline_mode = #tpu.pipeline_mode<synchronous>, transform_indices = @transform_2, window_bounds = array<i64: 1, 256>}, {transform_indices = @transform_3, window_bounds = array<i64: 10240, 256>}]} {
    %get3A = arith.constant 0 : index
    %get3A_0 = arith.constant 0 : index
    %get3A_1 = vector.load %arg1[%get3A, %get3A_0] : memref<10240x128xf32, #tpu.memory_space<vmem>>, vector<10240x128xf32>
    %get3A_2 = arith.constant 0 : index
    %get3A_3 = arith.constant 0 : index
    %get3A_4 = vector.load %arg2[%get3A_2, %get3A_3] : memref<128x256xf32, #tpu.memory_space<vmem>>, vector<128x256xf32>
    %dot_general3A = arith.constant dense<0.000000e+00> : vector<10240x256xf32>
    %dot_general3A_5 = tpu.matmul %get3A_1, %get3A_4, %dot_general3A {dimension_numbers = #tpu.dot_dimension_numbers<[1], [0], [0], [1], [0, 0, 1, 1], [], []>, transpose_lhs_hint = false} : vector<10240x128xf32>, vector<128x256xf32>, vector<10240x256xf32> -> vector<10240x256xf32>
    %get3A_6 = arith.constant 0 : index
    %get3A_7 = arith.constant 0 : index
    %get3A_8 = vector.load %arg3[%get3A_6, %get3A_7] : memref<1x256xf32, #tpu.memory_space<vmem>>, vector<1x256xf32>
    %add3A = vector.broadcast %get3A_8 : vector<1x256xf32> to vector<10240x256xf32>
    %add3A_9 = arith.addf %dot_general3A_5, %add3A : vector<10240x256xf32>
    %mul3A = arith.constant 5.000000e-01 : f32
    %mul3A_10 = vector.broadcast %mul3A : f32 to vector<10240x256xf32>
    %mul3A_11 = arith.mulf %mul3A_10, %add3A_9 : vector<10240x256xf32>
    %mul3A_12 = arith.mulf %add3A_9, %add3A_9 : vector<10240x256xf32>
    %mul3A_13 = arith.mulf %mul3A_12, %add3A_9 : vector<10240x256xf32>
    %mul3A_14 = arith.constant 4.471500e-02 : f32
    %mul3A_15 = vector.broadcast %mul3A_14 : f32 to vector<10240x256xf32>
    %mul3A_16 = arith.mulf %mul3A_15, %mul3A_13 : vector<10240x256xf32>
    %add3A_17 = arith.addf %add3A_9, %mul3A_16 : vector<10240x256xf32>
    %mul3A_18 = arith.constant 0.797884583 : f32
    %mul3A_19 = vector.broadcast %mul3A_18 : f32 to vector<10240x256xf32>
    %mul3A_20 = arith.mulf %mul3A_19, %add3A_17 : vector<10240x256xf32>
    %tanh3A = math.tanh %mul3A_20 : vector<10240x256xf32>
    %add3A_21 = arith.constant 1.000000e+00 : f32
    %add3A_22 = vector.broadcast %add3A_21 : f32 to vector<10240x256xf32>
    %add3A_23 = arith.addf %add3A_22, %tanh3A : vector<10240x256xf32>
    %mul3A_24 = arith.mulf %mul3A_11, %add3A_23 : vector<10240x256xf32>
    %swap3A = arith.constant 0 : index
    %swap3A_25 = arith.constant 0 : index
    %swap3A_26 = vector.load %arg4[%swap3A, %swap3A_25] : memref<10240x256xf32, #tpu.memory_space<vmem>>, vector<10240x256xf32>
    tpu.vector_store %arg4[%swap3A, %swap3A_25], %mul3A_24 {strides = array<i32>} : memref<10240x256xf32, #tpu.memory_space<vmem>>, vector<10240x256xf32>,
    return
  }
  func.func @transform_0(%arg0: i32) -> (i32, i32) {
    %c0_i32 = arith.constant 0 : i32
    %c0_i32_0 = arith.constant 0 : i32
    return %arg0, %c0_i32 : i32, i32
  }
  func.func @transform_1(%arg0: i32) -> (i32, i32) {
    %c0_i32 = arith.constant 0 : i32
    %c0_i32_0 = arith.constant 0 : i32
    %c0_i32_1 = arith.constant 0 : i32
    return %c0_i32, %c0_i32_0 : i32, i32
  }
  func.func @transform_2(%arg0: i32) -> (i32, i32) {
    %c0_i32 = arith.constant 0 : i32
    %c0_i32_0 = arith.constant 0 : i32
    %c0_i32_1 = arith.constant 0 : i32
    return %c0_i32, %c0_i32_0 : i32, i32
  }
  func.func @transform_3(%arg0: i32) -> (i32, i32) {
    %c0_i32 = arith.constant 0 : i32
    %c0_i32_0 = arith.constant 0 : i32
    return %arg0, %c0_i32 : i32, i32
  }
}

</mosaic_0001>

<sc_bundles>
// kernel: kernel.4.cloned.1.call-start
scs
__scs_entry_jumppad:
0x0: {  	(pc) =	sbr.rel $0x88, $3  }
0x1: {  	(tag) =	ssettag $0x0;
	lr =	simm.s32 $0x1  }
0x2: {  	[smem:$0x3F9D] =	sst lr;
	_ =	strace $0xD0000000  }
0x3: {  	_ = 	snop  }
0x4: {  	_ = 	snop  }
0x5: {  	_ = 	snop  }
0x6: {  	_ = 	snop  }
0x7: {  	_ = 	snop  }
__scs_overlays_trampoline_lowered:
0x8: {  	[smem:$0x3FAC] =	sst s0  }
0x9: {  	[smem:$0x3FAD] =	sst s1  }
0xa: {  	[smem:$0x3FAE] =	sst s2  }
0xb: {  	[smem:$0x3FAF] =	sst s3  }
0xc: {  	[smem:$0x3FB0] =	sst s4  }
0xd: {  	[smem:$0x3FB1] =	sst s5  }
0xe: {  	[smem:$0x3FB2] =	sst s6  }
0xf: {  	[smem:$0x3FB3] =	sst s7  }
0x10: {  	[smem:$0x3FB4] =	sst s8  }
0x11: {  	[smem:$0x3FB5] =	sst s9;
	s0 =	simm.s32 @!p0 $0x0  }
0x12: {  	s1 =	sld [smem:$0x3F9B];
	s0 =	simm.s32 @p0 $0x1  }
0x13: {  	[smem:$0x3FB6] =	sst s0;
	s0 =	simm.s32 @!p1 $0x0  }
0x14: {  	s2 =	sld [smem:$0x3F9A];
	s0 =	simm.s32 @p1 $0x1  }
0x15: {  	[smem:$0x3FB7] =	sst s0;
	s0 =	simm.s32 @!p2 $0x0  }
0x16: {  	s3 =	sld [smem:$0x3FDB];
	s0 =	simm.s32 @p2 $0x1  }
0x17: {  	s4 =	simm.s32 $0x1BF5;
	[smem:$0x3FB9] =	sst s0  }
0x18: {  	s0 =	sld [smem:$0x3F9C];
	_ =	swait.ge [sflag:s4], $0x0  }
0x19: {  	s7 =	sld [smem:$0x3F9D]  }
0x1a: {  	s8 =	sadd.s32 $0xFFFFE003, lr  }
0x1b: {  	s9 =	sadd.s32 $0xFFFFFEF7, lr;
	s5 =	simm.s32 $0xFFFFFFFF;
	p2 =	slt.u32 s8, $0xFFFFF086  }
0x1c: {  	p1 =	slt.u32 s9, $0xF7A;
	s5 =	simm.s32 @!p2 $0x0  }
0x1d: {  	s5 =	simm.s32 @p1 $0x1;
	p0 =	seq.s32 s7, s2  }
0x1e: {  	s7 =	smul.u32 @!p0 $0xF7A, s2;
	p2 =	seq.s32 @!p0 s5, $0x0  }
0x1f: {  	s9 =	smul.u32 $0xF7A, s1;
	s8 =	simm.s32 @!p0 $0x1BF5;
	p2 =	por !p2, p0  }
0x20: {  	[sflag:s8] =	ssyncset.s32 @!p0 $0xFFFFF086;
	s6 =	sadd.s32 @!p0 s3, s7;
	s7 =	simm.s32 @!p0 $0x108  }
0x21: {  	s3 =	sadd.s32 s3, s9;
	s6 =	sadd.s32 @!p0 $0x88, s6;
	s7 =	simm.s32 @p2 $0x1082  }
0x22: {  	[simem:s7], [sflag:s8] =	dma.local @!p0 [hbm:s6], $0xF7A  }
0x23: {  	s9 =	sor.u32 $0xD0000000, s2;
	s6 =	simm.s32 $0x108;
	_ =	swait.ge @!p0 [sflag:s8], $0x0  }
0x24: {  	s3 =	sadd.s32 $0x88, s3;
	s6 =	simm.s32 @!p1 $0x1082;
	[sflag:s4] =	ssyncset.s32 $0xFFFFF086  }
0x25: {  	[simem:s6], [sflag:s4] =	dma.local [hbm:s3], $0xF7A  }
0x26: {  	[smem:$0x3F9D] =	sst s1;
	(tag) =	ssettag s2;
	_ =	strace s9  }
0x27: {  	s1 =	sld [smem:$0x3FAD]  }
0x28: {  	s2 =	sld [smem:$0x3FAE]  }
0x29: {  	s4 =	sld [smem:$0x3FB0]  }
0x2a: {  	p0 =	seq.s32 s5, $0x0;
	s5 =	sld [smem:$0x3FB1]  }
0x2b: {  	s6 =	sld [smem:$0x3FB2]  }
0x2c: {  	s7 =	sld [smem:$0x3FB3]  }
0x2d: {  	s3 =	simm.s32 $0x108;
	s8 =	sld [smem:$0x3FB4]  }
0x2e: {  	s3 =	simm.s32 @!p0 $0x1082;
	s9 =	sld [smem:$0x3FB5]  }
0x2f: {  	lr =	sadd.s32 s0, s3;
	s0 =	sld [smem:$0x3FAC]  }
0x30: {  	s3 =	sld [smem:$0x3FAF]  }
0x31: {  	[smem:$0x3FB8] =	sst s10  }
0x32: {  	s10 =	sld [smem:$0x3FB6];
	_ =	sdelay $0x3  }
0x33: {  	p0 =	seq.s32 s10, $0x1;
	s10 =	sld [smem:$0x3FB8];
	_ =	sdelay $0x3  }
0x34: {  	[smem:$0x3FB8] =	sst s10  }
0x35: {  	s10 =	sld [smem:$0x3FB7];
	_ =	sdelay $0x3  }
0x36: {  	p1 =	seq.s32 s10, $0x1;
	s10 =	sld [smem:$0x3FB8];
	_ =	sdelay $0x3  }
0x37: {  	[smem:$0x3FB8] =	sst s10  }
0x38: {  	s10 =	sld [smem:$0x3FB9]  }
0x39: {  	_ = 	snop;
	(pc) =	sbr.ind lr, $3  }
0x3a: {  	_ = 	snop  }
0x3b: {  	_ = 	snop  }
0x3c: {  	p2 =	seq.s32 s10, $0x1;
	s10 =	sld [smem:$0x3FB8]  }
0x3d: {  	_ =	shalt  }
0x3e: {  	_ =	shalt  }
0x3f: {  	_ =	shalt  }
0x40: {  	_ =	shalt  }
0x41: {  	_ =	shalt  }
0x42: {  	_ =	shalt  }
0x43: {  	_ =	shalt  }
0x44: {  	_ =	shalt  }
0x45: {  	_ =	shalt  }
0x46: {  	_ =	shalt  }
0x47: {  	_ =	shalt  }
0x48: {  	_ =	shalt  }
0x49: {  	_ =	shalt  }
0x4a: {  	_ =	shalt  }
0x4b: {  	_ =	shalt  }
0x4c: {  	_ =	shalt  }
0x4d: {  	_ =	shalt  }
0x4e: {  	_ =	shalt  }
0x4f: {  	_ =	shalt  }
0x50: {  	_ =	shalt  }
0x51: {  	_ =	shalt  }
0x52: {  	_ =	shalt  }
0x53: {  	_ =	shalt  }
0x54: {  	_ =	shalt  }
0x55: {  	_ =	shalt  }
0x56: {  	_ =	shalt  }
0x57: {  	_ =	shalt  }
0x58: {  	_ =	shalt  }
0x59: {  	_ =	shalt  }
0x5a: {  	_ =	shalt  }
0x5b: {  	_ =	shalt  }
0x5c: {  	_ =	shalt  }
0x5d: {  	_ =	shalt  }
0x5e: {  	_ =	shalt  }
0x5f: {  	_ =	shalt  }
0x60: {  	_ =	shalt  }
0x61: {  	_ =	shalt  }
0x62: {  	_ =	shalt  }
0x63: {  	_ =	shalt  }
0x64: {  	_ =	shalt  }
0x65: {  	_ =	shalt  }
0x66: {  	_ =	shalt  }
0x67: {  	_ =	shalt  }
0x68: {  	_ =	shalt  }
0x69: {  	_ =	shalt  }
0x6a: {  	_ =	shalt  }
0x6b: {  	_ =	shalt  }
0x6c: {  	_ =	shalt  }
0x6d: {  	_ =	shalt  }
0x6e: {  	_ =	shalt  }
0x6f: {  	_ =	shalt  }
0x70: {  	_ =	shalt  }
0x71: {  	_ =	shalt  }
0x72: {  	_ =	shalt  }
0x73: {  	_ =	shalt  }
0x74: {  	_ =	shalt  }
0x75: {  	_ =	shalt  }
0x76: {  	_ =	shalt  }
0x77: {  	_ =	shalt  }
0x78: {  	_ =	shalt  }
0x79: {  	_ =	shalt  }
0x7a: {  	_ =	shalt  }
0x7b: {  	_ =	shalt  }
0x7c: {  	_ =	shalt  }
0x7d: {  	_ =	shalt  }
0x7e: {  	_ =	shalt  }
0x7f: {  	_ =	shalt  }
0x80: {  	_ =	shalt  }
0x81: {  	_ =	shalt  }
0x82: {  	_ =	shalt  }
0x83: {  	_ =	shalt  }
0x84: {  	_ =	shalt  }
0x85: {  	_ =	shalt  }
0x86: {  	_ =	shalt  }
0x87: {  	_ =	shalt  }
.Lfunc_end0:
.L_simem_size_0:
called_computation_lowered:
.L_overlay_start_0:
0x88: {  	s2 =	sld [smem:$0x3FD9]  }
0x89: {  	s3 =	sld [smem:$0x3FFE];
	_ =	sdelay $0x1  }
0x8a: {  	s1 =	srdreg.scid  }
0x8b: {  	s0 =	sand.u32 $0x1, s1  }
0x8c: {  	s17 =	sshll.u32 s0, $0xA;
	s2 =	sadd.s32 s3, s2  }
0x8d: {  	s2 =	sadd.s32 s2, s17  }
0x8e: {  	[smem:$0x3FC4] =	sst s2  }
0x8f: {  	_ = 	snop  }
0x90: {  	s2 =	sld [smem:$0x3FC9]  }
0x91: {  	s18 =	sld [smem:$0x3FC8];
	(tm) =	ssettm $0x1  }
0x92: {  	s4 =	sld [smem:$0x3FFB];
	_ =	sdelay $0x3  }
0x93: {  	_ =	strace s4  }
0x94: {  	s4 =	sld [smem:$0x3FFC];
	_ =	sdelay $0x3  }
0x95: {  	_ =	strace s4  }
0x96: {  	s4 =	sld [smem:$0x3FFD];
	_ =	sdelay $0x3  }
0x97: {  	_ =	strace s4  }
0x98: {  	_ =	strace $0x8FFFFFFF  }
0x99: {  	s19 =	sld [smem:$0x3FDB];
	_ =	sdelay $0x1  }
0x9a: {  	s5 =	simm.s32 $_scs_section_size  }
0x9b: {  	s6 =	simm.s32 $_size__tile_overlayer_lowered;
	s7 =	simm.s32 $_tile_overlayer_lowered  }
0x9c: {  	s22 =	simm.s32 $0x1BFF;
	s21 =	sshll.u32 s7, $0x1;
	s4 =	sadd.s32 s5, s19  }
0x9d: {  	s8 =	simm.s32 $0x0;
	s20 =	sshll.u32 s6, $0x1;
	s6 =	sadd.s32 s21, s4  }
0x9e: {  	[timem:s8], [sflag:s22] =	dma.local [hbm:s6], s20  }
0x9f: {  	_ =	swait.ge [sflag:s22], s20  }
0xa0: {  	s5 =	ssub.s32 $0x0, s20;
	[sflag:s22] =	ssyncset.done $0x0  }
0xa1: {  	[sflag:s22] =	ssyncadd.s32 s5;
	_ =	sdelay $0x1  }
0xa2: {  	s23 =	simm.s32 $0x1B8B  }
0xa3: {  	_ =	swait.ge [sflag:s23], $0x1  }
0xa4: {  	[sflag:s23] =	ssyncset.done $0x0  }
0xa5: {  	s25 =	simm.s32 $0x1B8E;
	s24 =	sld [smem:$0x3FFE];
	[sflag:s23] =	ssyncadd.s32 $0xFFFFFFFF  }
0xa6: {  	s26 =	simm.s32 $execute0_lowered;
	[smem:$0x3FD2] =	sst s25  }
0xa7: {  	s6 =	sshll.u32 s26, $0x1;
	_ =	strace $0x80000046;
	[dreg:$0x1] =	wrdreg $0xFFFFFFFF  }
0xa8: {  	s28 =	simm.s32 $_size_execute0_lowered;
	s4 =	sadd.s32 s4, s6;
	[dreg:$0x0] =	wrdreg $0x0  }
0xa9: {  	s6 =	sshll.u32 s28, $0x1;
	[dreg:$0x2] =	wrdreg s4  }
0xaa: {  	[dreg:$0x3] =	wrdreg s6  }
0xab: {  	[dreg:$0x4] =	wrdreg $0xC0  }
0xac: {  	_ =	task [dreg:s8], $0x5FFFF  }
0xad: {  	[dreg:$0x1] =	wrdreg $0xFFFFFFFF  }
0xae: {  	[dreg:$0x0] =	wrdreg $0x60  }
0xaf: {  	[dreg:$0x2] =	wrdreg s18  }
0xb0: {  	[dreg:$0x3] =	wrdreg s2  }
0xb1: {  	[dreg:$0x4] =	wrdreg s24  }
0xb2: {  	[dreg:$0x5] =	wrdreg $0x9  }
0xb3: {  	_ =	task.clear_ibuf [dreg:s8], $0x6FFFF;
	_ =	strace $0x90000046  }
0xb4: {  	s29 =	simm.s32 $0x9;
	_ =	strace $0x80000048  }
0xb5: {  	_ =	swait.ge [sflag:s29], $0x1  }
0xb6: {  	[sflag:s29] =	ssyncadd.s32 $0xFFFFFFFF  }
0xb7: {  	_ =	strace $0x90000048  }
0xb8: {  	_ =	sfence  }
0xb9: {  	s30 =	sld [smem:$0x0];
	_ =	sdelay $0x2  }
0xba: {  	s31 =	sshll.u32 s1, $0xD;
	s1 =	sshrl.u32 s1, $0x2  }
0xbb: {  	s3 =	sand.u32 $0x4000, s31;
	s1 =	sadd.s32 s1, s30  }
0xbc: {  	s0 =	sor.u32 s3, s0;
	s1 =	sshll.u32 s1, $0x11  }
0xbd: {  	s0 =	sor.u32 s1, s0  }
0xbe: {  	s0 =	sadd.s32 $0x8F2B, s0  }
0xbf: {  	[sflag:s0] =	ssyncadd.remote.s32 $0x1  }
0xc0: {  	_ =	sfence.sel $0xFFFF  }
0xc1: {  	[dreg:$0x0] =	wrdreg $0xFFFFFFFF;
	(pc) =	sbr.abs _section_cstart, $3  }
0xc2: {  	[dreg:$0x1] =	wrdreg $0xFFFFFFFF  }
0xc3: {  	_ =	task.clear_ibuf [dreg:s8], $0x2FFFF;
	_ =	strace $0x9FFFFFFF  }
0xc4: {  	(tm) =	ssettm $0x7FFFFFFF  }
0xc5: {  	_ =	shalt  }
tec
execute0_lowered:
.L_overlay_start_1:
0x0: {  	(tag) =	ssettag $0x1  }
0x1: {  	s1 =	rddreg [dreg:$0x0]  }
0x2: {  	s0 =	rddreg [dreg:$0x1]  }
0x3: {  	s2 =	rddreg [dreg:$0x2];
	s4 =	srdreg.scid;
	s3 =	simm.s32 $0x0  }
0x4: {  	s9 =	stileid.u32;
	s28 =	simm.s32 $0x1;
	s30 =	simm.s32 $0xDC00  }
0x5: {  	s31 =	simm.s32 $0x2;
	s29 =	simm.s32 $0x4;
	s6 =	sand.u32 $0x1, s4  }
0x6: {  	[smem:$0x7FF] =	sst s3;
	s18 =	sshll.u32 s9, $0x8;
	s2 =	sadd.s32 $0x800, s2  }
0x7: {  	s26 =	sshll.u32 s9, $0xC;
	s9 =	simm.s32 $0x0;
	s5 =	sshll.u32 s6, $0x7  }
0x8: {  	_ =	strace $0x80000047;
	s7 =	ssub.s32 $0x2, s6;
	s6 =	sshll.u32 s6, $0xB  }
0x9: {  	s4 =	sor.u32 s5, s18;
	s8 =	sshrl.u32 s7, $0x1;
	s18 =	simm.s32 $0x3  }
0xa: {  	s5 =	sshll.u32 s4, $0x4;
	s4 =	sadd.s32 s0, s4;
	s19 =	ssub.s32 s7, s8  }
0xb: {  	s0 =	simm.s32 $0x7;
	s7 =	simm.s32 $0x9;
	s8 =	simm.s32 $0xA  }
0xc: {  	s5 =	sadd.s32 s2, s5;
	[dreg:$0x4] =	wrdreg s4;
	s4 =	sadd.s32 $0x6000, s4  }
0xd: {  	s2 =	sadd.s32 s26, s2;
	s16 =	smax.u32 s19, $0x1;
	s26 =	simm.s32 $0x9C00  }
0xe: {  	s19 =	simm.s32 $0x6;
	[dreg:$0x5] =	wrdreg s4;
	s20 =	sadd.s32 $0x10000, s5  }
0xf: {  	s21 =	sadd.s32 $0x20000, s5;
	s22 =	sadd.s32 $0x30000, s5;
	[dreg:$0x6] =	wrdreg s20  }
0x10: {  	s23 =	sadd.s32 $0x40000, s5;
	s24 =	sadd.s32 $0x2D0000, s5;
	[dreg:$0x7] =	wrdreg s21  }
0x11: {  	s25 =	sadd.s32 $0x2E0000, s5;
	s13 =	sadd.s32 $0x2F0000, s5;
	[dreg:$0x8] =	wrdreg s22  }
0x12: {  	s14 =	sadd.s32 $0x300000, s5;
	s15 =	sadd.s32 $0x310000, s5;
	[dreg:$0x9] =	wrdreg s23  }
0x13: {  	s2 =	sadd.s32 s6, s2;
	s6 =	simm.s32 $0x8;
	[dreg:$0xa] =	wrdreg s24  }
0x14: {  	[dreg:$0xb] =	wrdreg s25;
	s17 =	sadd.s32 $0x50000, s2;
	s20 =	simm.s32 $0x1800  }
0x15: {  	s21 =	simm.s32 $0xB;
	s22 =	simm.s32 $0x80;
	s23 =	simm.s32 $0x1C00  }
0x16: {  	s24 =	simm.s32 $0x5C00;
	s2 =	simm.s32 $0x11C00;
	s25 =	simm.s32 $0x5  }
.LBB2_1:
0x17: {  	s4 =	rddreg [dreg:$0x4];
	s10 =	simm.s32 $0x400;
	s11 =	simm.s32 $0x8000  }
0x18: {  	[tilespmem:s3], [sflag:$0xB] =	stream.strided.gather [hbm4b:s4+s10], $0x1800, s11, s10, $0x38;
	[tilespmem:$0x15C00] =	vst v63  }
0x19: {  	s12 =	rddreg [dreg:$0x5]  }
0x1a: {  	[tilespmem:s20], [sflag:$0xB] =	stream.linear.gather [hbm4b:s12+s3], $0x100, $0x38;
	[tilespmem:$0x15C00] =	vst v63  }
0x1b: {  	_ =	swait.ge [sflag:s21], $0x1900  }
0x1c: {  	[sflag:s21] =	ssyncset.done $0x0  }
0x1d: {  	[sflag:s21] =	ssyncadd.s32 $0xFFFFE700  }
0x1e: {  	[tilespmem:s23], [sflag:$0x1] =	stream.indirect.gather [hbm4b:s1+s22], $0x80, s3, s22, $0xb8;
	[tilespmem:$0x15C00] =	vst v63  }
0x1f: {  	_ = 	snop  }
0x20: {  	[tilespmem:s24], [sflag:$0x2] =	stream.indirect.gather [hbm4b:s1+s22], $0x80, s22, s22, $0xb8;
	[tilespmem:$0x15C00] =	vst v63  }
0x21: {  	s10 =	simm.s32 $0x100  }
0x22: {  	[tilespmem:s26], [sflag:$0x3] =	stream.indirect.gather [hbm4b:s1+s22], $0x80, s10, s22, $0xb8;
	[tilespmem:$0x15C00] =	vst v63  }
0x23: {  	_ =	swait.ge [sflag:s28], $0x4000  }
0x24: {  	[sflag:s28] =	ssyncset.done $0x0  }
0x25: {  	[sflag:s28] =	ssyncadd.s32 $0xFFFFC000  }
0x26: {  	[hbm4b:s5+s3] =	stream.linear.scatter [tilespmem:s23], [sflag:$0x6], $0x4000, $0x38;
	[tilespmem:$0x15C00] =	vst v63  }
0x27: {  	s11 =	simm.s32 $0x180  }
0x28: {  	[tilespmem:s30], [sflag:$0x4] =	stream.indirect.gather [hbm4b:s1+s22], $0x80, s11, s22, $0xb8;
	[tilespmem:$0x15C00] =	vst v63  }
0x29: {  	_ =	swait.ge [sflag:s31], $0x4000  }
0x2a: {  	[sflag:s31] =	ssyncset.done $0x0  }
0x2b: {  	s12 =	rddreg [dreg:$0x6];
	[sflag:s31] =	ssyncadd.s32 $0xFFFFC000  }
0x2c: {  	[hbm4b:s12+s3] =	stream.linear.scatter [tilespmem:s24], [sflag:$0x7], $0x4000, $0x38;
	[tilespmem:$0x15C00] =	vst v63  }
0x2d: {  	s10 =	simm.s32 $0x200  }
0x2e: {  	[tilespmem:s2], [sflag:$0x5] =	stream.indirect.gather [hbm4b:s1+s22], $0x80, s10, s22, $0xb8;
	[tilespmem:$0x15C00] =	vst v63  }
0x2f: {  	_ =	swait.ge [sflag:s18], $0x4000  }
0x30: {  	[sflag:s18] =	ssyncset.done $0x0  }
0x31: {  	s11 =	rddreg [dreg:$0x7];
	[sflag:s18] =	ssyncadd.s32 $0xFFFFC000  }
0x32: {  	[hbm4b:s11+s3] =	stream.linear.scatter [tilespmem:s26], [sflag:$0x8], $0x4000, $0x38;
	[tilespmem:$0x15C00] =	vst v63  }
0x33: {  	_ =	swait.ge [sflag:s19], $0x4000  }
0x34: {  	[sflag:s19] =	ssyncset.done $0x0  }
0x35: {  	s12 =	simm.s32 $0x280;
	[sflag:s19] =	ssyncadd.s32 $0xFFFFC000  }
0x36: {  	[tilespmem:s23], [sflag:$0x1] =	stream.indirect.gather [hbm4b:s1+s22], $0x80, s12, s22, $0xb8;
	[tilespmem:$0x15C00] =	vst v63  }
0x37: {  	_ =	swait.ge [sflag:s29], $0x4000  }
0x38: {  	[sflag:s29] =	ssyncset.done $0x0  }
0x39: {  	s10 =	rddreg [dreg:$0x8];
	[sflag:s29] =	ssyncadd.s32 $0xFFFFC000  }
0x3a: {  	[hbm4b:s10+s3] =	stream.linear.scatter [tilespmem:s30], [sflag:$0x9], $0x4000, $0x38;
	[tilespmem:$0x15C00] =	vst v63  }
0x3b: {  	_ =	swait.ge [sflag:s0], $0x4000  }
0x3c: {  	[sflag:s0] =	ssyncset.done $0x0  }
0x3d: {  	s11 =	simm.s32 $0x300;
	[sflag:s0] =	ssyncadd.s32 $0xFFFFC000  }
0x3e: {  	[tilespmem:s24], [sflag:$0x2] =	stream.indirect.gather [hbm4b:s1+s22], $0x80, s11, s22, $0xb8;
	[tilespmem:$0x15C00] =	vst v63  }
0x3f: {  	_ =	swait.ge [sflag:s25], $0x4000  }
0x40: {  	[sflag:s25] =	ssyncset.done $0x0  }
0x41: {  	s12 =	rddreg [dreg:$0x9];
	[sflag:s25] =	ssyncadd.s32 $0xFFFFC000  }
0x42: {  	[hbm4b:s12+s3] =	stream.linear.scatter [tilespmem:s2], [sflag:$0xA], $0x4000, $0x38;
	[tilespmem:$0x15C00] =	vst v63  }
0x43: {  	_ =	swait.ge [sflag:s6], $0x4000  }
0x44: {  	[sflag:s6] =	ssyncset.done $0x0  }
0x45: {  	s10 =	simm.s32 $0x380;
	[sflag:s6] =	ssyncadd.s32 $0xFFFFC000  }
0x46: {  	[tilespmem:s26], [sflag:$0x3] =	stream.indirect.gather [hbm4b:s1+s22], $0x80, s10, s22, $0xb8;
	[tilespmem:$0x15C00] =	vst v63  }
0x47: {  	_ =	swait.ge [sflag:s28], $0x4000  }
0x48: {  	[sflag:s28] =	ssyncset.done $0x0  }
0x49: {  	[sflag:s28] =	ssyncadd.s32 $0xFFFFC000  }
0x4a: {  	[hbm4b:s17+s3] =	stream.linear.scatter [tilespmem:s23], [sflag:$0x6], $0x4000, $0x38;
	[tilespmem:$0x15C00] =	vst v63  }
0x4b: {  	_ =	swait.ge [sflag:s7], $0x4000  }
0x4c: {  	[sflag:s7] =	ssyncset.done $0x0  }
0x4d: {  	s11 =	simm.s32 $0x400;
	[sflag:s7] =	ssyncadd.s32 $0xFFFFC000  }
0x4e: {  	[tilespmem:s30], [sflag:$0x4] =	stream.indirect.gather [hbm4b:s1+s22], $0x80, s11, s22, $0xb8;
	[tilespmem:$0x15C00] =	vst v63  }
0x4f: {  	_ =	swait.ge [sflag:s31], $0x4000  }
0x50: {  	[sflag:s31] =	ssyncset.done $0x0  }
0x51: {  	s12 =	sadd.s32 $0x10000, s17;
	[sflag:s31] =	ssyncadd.s32 $0xFFFFC000  }
0x52: {  	[hbm4b:s12+s3] =	stream.linear.scatter [tilespmem:s24], [sflag:$0x7], $0x4000, $0x38;
	[tilespmem:$0x15C00] =	vst v63  }
0x53: {  	_ =	swait.ge [sflag:s8], $0x4000  }
0x54: {  	[sflag:s8] =	ssyncset.done $0x0  }
0x55: {  	s4 =	simm.s32 $0x480;
	[sflag:s8] =	ssyncadd.s32 $0xFFFFC000  }
0x56: {  	[tilespmem:s2], [sflag:$0x5] =	stream.indirect.gather [hbm4b:s1+s22], $0x80, s4, s22, $0xb8;
	[tilespmem:$0x15C00] =	vst v63  }
0x57: {  	_ =	swait.ge [sflag:s18], $0x4000  }
0x58: {  	[sflag:s18] =	ssyncset.done $0x0  }
0x59: {  	s11 =	sadd.s32 $0x20000, s17;
	[sflag:s18] =	ssyncadd.s32 $0xFFFFC000  }
0x5a: {  	[hbm4b:s11+s3] =	stream.linear.scatter [tilespmem:s26], [sflag:$0x8], $0x4000, $0x38;
	[tilespmem:$0x15C00] =	vst v63  }
0x5b: {  	_ =	swait.ge [sflag:s19], $0x4000  }
0x5c: {  	[sflag:s19] =	ssyncset.done $0x0  }
0x5d: {  	s12 =	simm.s32 $0x500;
	[sflag:s19] =	ssyncadd.s32 $0xFFFFC000  }
0x5e: {  	[tilespmem:s23], [sflag:$0x1] =	stream.indirect.gather [hbm4b:s1+s22], $0x80, s12, s22, $0xb8;
	[tilespmem:$0x15C00] =	vst v63  }
0x5f: {  	_ =	swait.ge [sflag:s29], $0x4000  }
0x60: {  	[sflag:s29] =	ssyncset.done $0x0  }
0x61: {  	s4 =	sadd.s32 $0x30000, s17;
	[sflag:s29] =	ssyncadd.s32 $0xFFFFC000  }
0x62: {  	[hbm4b:s4+s3] =	stream.linear.scatter [tilespmem:s30], [sflag:$0x9], $0x4000, $0x38;
	[tilespmem:$0x15C00] =	vst v63  }
0x63: {  	_ =	swait.ge [sflag:s0], $0x4000  }
0x64: {  	[sflag:s0] =	ssyncset.done $0x0  }
0x65: {  	s11 =	simm.s32 $0x580;
	[sflag:s0] =	ssyncadd.s32 $0xFFFFC000  }
0x66: {  	[tilespmem:s24], [sflag:$0x2] =	stream.indirect.gather [hbm4b:s1+s22], $0x80, s11, s22, $0xb8;
	[tilespmem:$0x15C00] =	vst v63  }
0x67: {  	_ =	swait.ge [sflag:s25], $0x4000  }
0x68: {  	[sflag:s25] =	ssyncset.done $0x0  }
0x69: {  	s12 =	sadd.s32 $0x40000, s17;
	[sflag:s25] =	ssyncadd.s32 $0xFFFFC000  }
0x6a: {  	[hbm4b:s12+s3] =	stream.linear.scatter [tilespmem:s2], [sflag:$0xA], $0x4000, $0x38;
	[tilespmem:$0x15C00] =	vst v63  }
0x6b: {  	_ =	swait.ge [sflag:s6], $0x4000  }
0x6c: {  	s10 =	simm.s32 $0xA00;
	[sflag:s6] =	ssyncset.done $0x0  }
0x6d: {  	s11 =	sadd.s32 $0x50000, s17;
	s12 =	simm.s32 $0x600;
	[sflag:s6] =	ssyncadd.s32 $0xFFFFC000  }
.LBB2_2:
0x6e: {  	[tilespmem:s26], [sflag:$0x3] =	stream.indirect.gather [hbm4b:s1+s22], $0x80, s12, s22, $0xb8;
	[tilespmem:$0x15C00] =	vst v63  }
0x6f: {  	s12 =	smov.u32 s10  }
0x70: {  	p0 =	sne.s32 s10, $0x4600;
	s10 =	sadd.s32 $0xA00, s10;
	_ =	swait.ge [sflag:s28], $0x4000  }
0x71: {  	[sflag:s28] =	ssyncset.done $0x0  }
0x72: {  	[sflag:s28] =	ssyncadd.s32 $0xFFFFC000  }
0x73: {  	[hbm4b:s11+s3] =	stream.linear.scatter [tilespmem:s23], [sflag:$0x6], $0x4000, $0x38;
	[tilespmem:$0x15C00] =	vst v63  }
0x74: {  	_ =	swait.ge [sflag:s7], $0x4000  }
0x75: {  	s12 =	sshra.s32 s12, $0x2;
	[sflag:s7] =	ssyncset.done $0x0  }
0x76: {  	s4 =	sadd.s32 $0x400, s12;
	[sflag:s7] =	ssyncadd.s32 $0xFFFFC000  }
0x77: {  	[tilespmem:s30], [sflag:$0x4] =	stream.indirect.gather [hbm4b:s1+s22], $0x80, s4, s22, $0xb8;
	[tilespmem:$0x15C00] =	vst v63  }
0x78: {  	_ =	swait.ge [sflag:s31], $0x4000  }
0x79: {  	[sflag:s31] =	ssyncset.done $0x0  }
0x7a: {  	s4 =	sadd.s32 $0x10000, s11;
	[sflag:s31] =	ssyncadd.s32 $0xFFFFC000  }
0x7b: {  	[hbm4b:s4+s3] =	stream.linear.scatter [tilespmem:s24], [sflag:$0x7], $0x4000, $0x38;
	[tilespmem:$0x15C00] =	vst v63  }
0x7c: {  	_ =	swait.ge [sflag:s8], $0x4000  }
0x7d: {  	[sflag:s8] =	ssyncset.done $0x0  }
0x7e: {  	s4 =	sadd.s32 $0x480, s12;
	[sflag:s8] =	ssyncadd.s32 $0xFFFFC000  }
0x7f: {  	[tilespmem:s2], [sflag:$0x5] =	stream.indirect.gather [hbm4b:s1+s22], $0x80, s4, s22, $0xb8;
	[tilespmem:$0x15C00] =	vst v63  }
0x80: {  	_ =	swait.ge [sflag:s18], $0x4000  }
0x81: {  	[sflag:s18] =	ssyncset.done $0x0  }
0x82: {  	s4 =	sadd.s32 $0x20000, s11;
	[sflag:s18] =	ssyncadd.s32 $0xFFFFC000  }
0x83: {  	[hbm4b:s4+s3] =	stream.linear.scatter [tilespmem:s26], [sflag:$0x8], $0x4000, $0x38;
	[tilespmem:$0x15C00] =	vst v63  }
0x84: {  	_ =	swait.ge [sflag:s19], $0x4000  }
0x85: {  	[sflag:s19] =	ssyncset.done $0x0  }
0x86: {  	s4 =	sadd.s32 $0x500, s12;
	[sflag:s19] =	ssyncadd.s32 $0xFFFFC000  }
0x87: {  	[tilespmem:s23], [sflag:$0x1] =	stream.indirect.gather [hbm4b:s1+s22], $0x80, s4, s22, $0xb8;
	[tilespmem:$0x15C00] =	vst v63  }
0x88: {  	_ =	swait.ge [sflag:s29], $0x4000  }
0x89: {  	[sflag:s29] =	ssyncset.done $0x0  }
0x8a: {  	s4 =	sadd.s32 $0x30000, s11;
	[sflag:s29] =	ssyncadd.s32 $0xFFFFC000  }
0x8b: {  	[hbm4b:s4+s3] =	stream.linear.scatter [tilespmem:s30], [sflag:$0x9], $0x4000, $0x38;
	[tilespmem:$0x15C00] =	vst v63  }
0x8c: {  	_ =	swait.ge [sflag:s0], $0x4000  }
0x8d: {  	[sflag:s0] =	ssyncset.done $0x0  }
0x8e: {  	s4 =	sadd.s32 $0x580, s12;
	[sflag:s0] =	ssyncadd.s32 $0xFFFFC000  }
0x8f: {  	[tilespmem:s24], [sflag:$0x2] =	stream.indirect.gather [hbm4b:s1+s22], $0x80, s4, s22, $0xb8;
	[tilespmem:$0x15C00] =	vst v63  }
0x90: {  	_ =	swait.ge [sflag:s25], $0x4000  }
0x91: {  	[sflag:s25] =	ssyncset.done $0x0  }
.Ltmp0:
0x92: {  	s4 =	sadd.s32 $0x40000, s11;
	[sflag:s25] =	ssyncadd.s32 $0xFFFFC000;
	(pc) =	sbr.rel @p0 .LBB2_2-.Ltmp0, $4  }
0x93: {  	[hbm4b:s4+s3] =	stream.linear.scatter [tilespmem:s2], [sflag:$0xA], $0x4000, $0x38;
	[tilespmem:$0x15C00] =	vst v63  }
0x94: {  	_ =	swait.ge [sflag:s6], $0x4000  }
0x95: {  	[sflag:s6] =	ssyncset.done $0x0  }
0x96: {  	s12 =	sadd.s32 $0x600, s12;
	s11 =	sadd.s32 $0x50000, s11;
	[sflag:s6] =	ssyncadd.s32 $0xFFFFC000  }
0x97: {  	[tilespmem:s26], [sflag:$0x3] =	stream.indirect.gather [hbm4b:s1+s22], $0x80, s12, s22, $0xb8;
	[tilespmem:$0x15C00] =	vst v63  }
0x98: {  	_ =	swait.ge [sflag:s28], $0x4000  }
0x99: {  	[sflag:s28] =	ssyncset.done $0x0  }
0x9a: {  	s4 =	rddreg [dreg:$0xa];
	[sflag:s28] =	ssyncadd.s32 $0xFFFFC000  }
0x9b: {  	[hbm4b:s4+s3] =	stream.linear.scatter [tilespmem:s23], [sflag:$0x6], $0x4000, $0x38;
	[tilespmem:$0x15C00] =	vst v63  }
0x9c: {  	_ =	swait.ge [sflag:s7], $0x4000  }
0x9d: {  	[sflag:s7] =	ssyncset.done $0x0  }
0x9e: {  	[sflag:s7] =	ssyncadd.s32 $0xFFFFC000  }
0x9f: {  	[tilespmem:s30], [sflag:$0x4] =	stream.indirect.gather [hbm4b:s1+s22], $0x80, s20, s22, $0xb8;
	[tilespmem:$0x15C00] =	vst v63  }
0xa0: {  	_ =	swait.ge [sflag:s31], $0x4000  }
0xa1: {  	[sflag:s31] =	ssyncset.done $0x0  }
0xa2: {  	s11 =	rddreg [dreg:$0xb];
	[sflag:s31] =	ssyncadd.s32 $0xFFFFC000  }
0xa3: {  	[hbm4b:s11+s3] =	stream.linear.scatter [tilespmem:s24], [sflag:$0x7], $0x4000, $0x38;
	[tilespmem:$0x15C00] =	vst v63  }
0xa4: {  	_ =	swait.ge [sflag:s8], $0x4000  }
0xa5: {  	[sflag:s8] =	ssyncset.done $0x0  }
0xa6: {  	s12 =	simm.s32 $0x1880;
	[sflag:s8] =	ssyncadd.s32 $0xFFFFC000  }
0xa7: {  	[tilespmem:s2], [sflag:$0x5] =	stream.indirect.gather [hbm4b:s1+s22], $0x80, s12, s22, $0xb8;
	[tilespmem:$0x15C00] =	vst v63  }
0xa8: {  	_ =	swait.ge [sflag:s18], $0x4000  }
0xa9: {  	[sflag:s18] =	ssyncset.done $0x0  }
0xaa: {  	[sflag:s18] =	ssyncadd.s32 $0xFFFFC000  }
0xab: {  	[hbm4b:s13+s3] =	stream.linear.scatter [tilespmem:s26], [sflag:$0x8], $0x4000, $0x38;
	[tilespmem:$0x15C00] =	vst v63  }
0xac: {  	_ =	swait.ge [sflag:s19], $0x4000  }
0xad: {  	[sflag:s19] =	ssyncset.done $0x0  }
0xae: {  	[sflag:s19] =	ssyncadd.s32 $0xFFFFC000  }
0xaf: {  	_ =	swait.ge [sflag:s29], $0x4000  }
0xb0: {  	[sflag:s29] =	ssyncset.done $0x0  }
0xb1: {  	[sflag:s29] =	ssyncadd.s32 $0xFFFFC000  }
0xb2: {  	[hbm4b:s14+s3] =	stream.linear.scatter [tilespmem:s30], [sflag:$0x9], $0x4000, $0x38;
	[tilespmem:$0x15C00] =	vst v63  }
0xb3: {  	_ =	swait.ge [sflag:s0], $0x4000  }
0xb4: {  	[sflag:s0] =	ssyncset.done $0x0  }
0xb5: {  	[sflag:s0] =	ssyncadd.s32 $0xFFFFC000  }
0xb6: {  	_ =	swait.ge [sflag:s25], $0x4000  }
0xb7: {  	[sflag:s25] =	ssyncset.done $0x0  }
0xb8: {  	[sflag:s25] =	ssyncadd.s32 $0xFFFFC000  }
0xb9: {  	[hbm4b:s15+s3] =	stream.linear.scatter [tilespmem:s2], [sflag:$0xA], $0x4000, $0x38;
	[tilespmem:$0x15C00] =	vst v63  }
0xba: {  	_ =	swait.ge [sflag:s6], $0x4000  }
0xbb: {  	[sflag:s6] =	ssyncset.done $0x0  }
0xbc: {  	s9 =	sadd.s32 $0x1, s9;
	[sflag:s6] =	ssyncadd.s32 $0xFFFFC000  }
0xbd: {  	p0 =	sne.s32 s9, s16;
	_ =	swait.ge [sflag:s7], $0x4000  }
.Ltmp1:
0xbe: {  	[sflag:s7] =	ssyncset.done $0x0;
	(pc) =	sbr.rel @p0 .LBB2_1-.Ltmp1, $4  }
0xbf: {  	[sflag:s7] =	ssyncadd.s32 $0xFFFFC000  }
0xc0: {  	_ =	swait.ge [sflag:s8], $0x4000  }
0xc1: {  	[sflag:s8] =	ssyncset.done $0x0  }
0xc2: {  	[sflag:s8] =	ssyncadd.s32 $0xFFFFC000  }
0xc3: {  	_ =	sfence.sel $0x180000  }
0xc4: {  	[bflag:$0x0] =	sbarrier.arrive $0xFFFF  }
0xc5: {  	_ =	strace $0x90000047  }
0xc6: {  	s0 =	stileid.u32;
	[bflag:$0x2] =	sbarrier.arrive $0xFFFF  }
0xc7: {  	p0 =	sne.s32 s0, $0x0;
	s0 =	rddreg [dreg:$0x3]  }
0xc8: {  	s0 =	sadd.s32 @!p0 $0x100000, s0  }
0xc9: {  	[sflag:s0] =	ssyncadd.tile.s32 @!p0 $0x1;
	_ =	shalt  }
.Lfunc_end2:
_tile_overlayer_lowered:
.L_overlay_start_2:
0xca: {  	(tag) =	ssettag $0x2  }
0xcb: {  	s0 =	rddreg [dreg:$0x0];
	s2 =	stileid.u32  }
0xcc: {  	s1 =	rddreg [dreg:$0x1];
	p0 =	sne.s32 s2, $0x0  }
0xcd: {  	s3 =	rddreg [dreg:$0x2];
	[bflag:$0x3] =	sbarrier.arrive $0xFFFF;
	s2 =	simm.s32 @!p0 $0x1C0B  }
0xce: {  	[timem:s3], [sflag:s2] =	dma.local @!p0 [hbm:s0], s1  }
0xcf: {  	s0 =	simm.s32 @!p0 $0xB  }
0xd0: {  	_ =	swait.ge @!p0 [sflag:s0], s1  }
0xd1: {  	s1 =	ssub.s32 @!p0 $0x0, s1;
	[sflag:s0] =	ssyncset.done @!p0 $0x0  }
0xd2: {  	[sflag:s0] =	ssyncadd.s32 @!p0 s1  }
0xd3: {  	[bflag:$0x3] =	sbarrier.arrive $0xFFFF  }
0xd4: {  	_ =	shalt  }

</sc_bundles>
